<compile_context>
chip_gen: v7x
topology: tpu7x:2x2x1
jax: 0.10.2.dev20260603
libtpu: 0.0.44.dev20260713+nightly
codegen_flags: <defaults>
</compile_context>

<pallas_src>
import functools

import jax
import jax.numpy as jnp
from jax import lax
from jax.experimental import pallas as pl
from jax.experimental.pallas import tpu as pltpu
from jax.experimental.pallas import tpu_sc as plsc

_VOCAB = 100000
_D = 1024
_BATCH = 4
_SEQ = 2048
_NB = _BATCH * _SEQ

_info = plsc.get_sparse_core_info()
_NC = _info.num_cores
_NS = _info.num_subcores
_NW = _NC * _NS
_BPW = _NB // _NW
_C = 16
_NCHUNK = _BPW // _C
_NBUF = 4
_NSP = 2
_NGROUP = _NCHUNK // _NBUF

_mesh = plsc.VectorSubcoreMesh(core_axis_name="c", subcore_axis_name="s")


@functools.partial(
    pl.kernel,
    mesh=_mesh,
    out_type=jax.ShapeDtypeStruct((_NB, _D), jnp.float32),
    scratch_types=[
        pltpu.VMEM((_BPW,), jnp.int32),
        pltpu.VMEM((_NBUF, _C, _D), jnp.float32),
        pltpu.VMEM_SHARED((_NS, _NSP, _C, _D), jnp.float32),
        pltpu.SemaphoreType.DMA,
        pltpu.SemaphoreType.DMA,
        pltpu.SemaphoreType.DMA,
    ],
)
def _embed_sc(x_hbm, table_hbm, out_hbm, idx_v, buf_v, sp_v, gsem, psem, wsem):
    cid = lax.axis_index("c")
    sid = lax.axis_index("s")
    wid = sid * _NC + cid
    base = wid * _BPW

    def gather(j, b):
        pltpu.async_copy(
            table_hbm.at[idx_v.at[pl.ds(j * _C, _C)]], buf_v.at[b], gsem
        )

    def gather_wait(j, b):
        pltpu.make_async_copy(
            table_hbm.at[idx_v.at[pl.ds(j * _C, _C)]], buf_v.at[b], gsem
        ).wait()

    def push(b, s):
        pltpu.async_copy(buf_v.at[b], sp_v.at[sid, s], psem)

    def push_wait(b, s):
        pltpu.make_async_copy(buf_v.at[b], sp_v.at[sid, s], psem).wait()

    def write(j, s):
        pltpu.async_copy(
            sp_v.at[sid, s], out_hbm.at[pl.ds(base + j * _C, _C)], wsem
        )

    def write_wait(j, s):
        pltpu.make_async_copy(
            sp_v.at[sid, s], out_hbm.at[pl.ds(base + j * _C, _C)], wsem
        ).wait()

    pltpu.sync_copy(
        x_hbm.at[wid // (_SEQ // _BPW), pl.ds((wid % (_SEQ // _BPW)) * _BPW, _BPW)],
        idx_v,
    )

    for b in range(_NBUF):
        gather(b, b)

    for b in range(_NBUF):
        s = b % _NSP
        gather_wait(b, b)
        if b >= _NSP:
            write_wait(b - _NSP, s)
        push(b, s)
        push_wait(b, s)
        gather(b + _NBUF, b)
        write(b, s)

    def body(k, _):
        for b in range(_NBUF):
            j = _NBUF * k + b
            s = b % _NSP
            gather_wait(j, b)
            write_wait(j - _NSP, s)
            push(b, s)
            push_wait(b, s)
            gather(j + _NBUF, b)
            write(j, s)
        return 0

    lax.fori_loop(1, _NGROUP - 1, body, 0, unroll=False)

    for b in range(_NBUF):
        j = _NCHUNK - _NBUF + b
        s = b % _NSP
        gather_wait(j, b)
        write_wait(j - _NSP, s)
        push(b, s)
        push_wait(b, s)
        write(j, s)
    for b in range(_NBUF - _NSP, _NBUF):
        j = _NCHUNK - _NBUF + b
        write_wait(j, b % _NSP)


def kernel(x, table):
    out = _embed_sc(x, table)
    return out.reshape(_BATCH, _SEQ, _D)

# --- scband reference (transcript-rebuilt; emitter-appended) ---
"""Pipeline reference for scband-transformer-embedding-13151189860456 (READ-ONLY COPY).

The authoritative reference and input builder live on the scoring server;
editing this copy changes nothing except your own understanding.
"""

import jax, jax.numpy as jnp
import numpy as np

VOCAB = 100000
D_MODEL = 1024
BATCH = 4
SEQ = 2048


def setup_inputs(seed: int = 0) -> dict:
    key = jax.random.key(seed)
    k1, k2 = jax.random.split(key)
    x = jax.random.randint(k1, (BATCH, SEQ), 0, VOCAB, dtype=jnp.int32)
    # learned embedding table, matching nn.Embedding(vocab_size, d_model)
    table = jax.random.normal(k2, (VOCAB, D_MODEL), dtype=jnp.float32)
    return {"x": x, "table": table}


def reference(x, table):
    # nn.Embedding lookup -> row gather
    out = jnp.take(table, x, axis=0)
    # dropout in eval mode is identity (deterministic reference)
    return out

if __name__ == "__main__":
    import jax
    _d = setup_inputs()
    print(jax.jit(kernel)(*tuple(_d.values())))

</pallas_src>

<mosaic_0001>
#map = affine_map<(d0, d1) -> (0, 0)>
module attributes {stable_mosaic.version = 14 : i64} {
  func.func @_embed_sc(%arg0: i32, %arg1: i32, %arg2: memref<4x2048xi32, #tpu.memory_space<hbm>>, %arg3: memref<100000x1024xf32, #tpu.memory_space<hbm>>, %arg4: memref<8192x1024xf32, #tpu.memory_space<hbm>>, %arg5: memref<256xi32, #tpu.memory_space<vmem>>, %arg6: memref<4x16x1024xf32, #tpu.memory_space<vmem>>, %arg7: memref<16x2x16x1024xf32, #tpu.memory_space<vmem_shared>>, %arg8: memref<!tpu.dma_semaphore, #tpu.memory_space<semaphore_mem>>, %arg9: memref<!tpu.dma_semaphore, #tpu.memory_space<semaphore_mem>>, %arg10: memref<!tpu.dma_semaphore, #tpu.memory_space<semaphore_mem>>) attributes {dimension_semantics = [#tpu.dimension_semantics<core_parallel>, #tpu.dimension_semantics<subcore_parallel>], iteration_bounds = array<i64: 2, 16>, scalar_prefetch = 0 : i64, scratch_operands = 6 : i64, tpu.core_type = #tpu.core_type<sc_vector_subcore>, window_params = [{transform_indices = #map}, {transform_indices = #map}, {transform_indices = #map}]} {
    %mul3A = arith.constant 2 : i32
    %mul3A_0 = arith.muli %arg1, %mul3A : i32
    %add3A = arith.addi %mul3A_0, %arg0 : i32
    %mul3A_1 = arith.constant 256 : i32
    %mul3A_2 = arith.muli %add3A, %mul3A_1 : i32
    %jit3A = arith.constant 8 : i32
    %div3A = arith.divsi %add3A, %jit3A : i32
    %sign3A = arith.constant 0 : i32
    %sign3A_3 = arith.cmpi sgt, %add3A, %sign3A : i32
    %sign3A_4 = arith.extui %sign3A_3 : i1 to i32
    %sign3A_5 = arith.constant 0 : i32
    %sign3A_6 = arith.cmpi slt, %add3A, %sign3A_5 : i32
    %sign3A_7 = arith.extui %sign3A_6 : i1 to i32
    %sign3A_8 = arith.subi %sign3A_4, %sign3A_7 : i32
    %sign3A_9 = arith.constant 0 : i32
    %sign3A_10 = arith.cmpi sgt, %jit3A, %sign3A_9 : i32
    %sign3A_11 = arith.extui %sign3A_10 : i1 to i32
    %sign3A_12 = arith.constant 0 : i32
    %sign3A_13 = arith.cmpi slt, %jit3A, %sign3A_12 : i32
    %sign3A_14 = arith.extui %sign3A_13 : i1 to i32
    %sign3A_15 = arith.subi %sign3A_11, %sign3A_14 : i32
    %ne3A = arith.cmpi ne, %sign3A_8, %sign3A_15 : i32
    %rem3A = arith.remsi %add3A, %jit3A : i32
    %ne3A_16 = arith.constant 0 : i32
    %ne3A_17 = arith.cmpi ne, %rem3A, %ne3A_16 : i32
    %and3A = arith.andi %ne3A, %ne3A_17 : i1
    %sub3A = arith.constant 1 : i32
    %sub3A_18 = arith.subi %div3A, %sub3A : i32
    %select_n3A = arith.select %and3A, %sub3A_18, %div3A : i32
    %jit3A_19 = arith.constant 8 : i32
    %eq3A = arith.constant 0 : i32
    %eq3A_20 = arith.cmpi eq, %jit3A_19, %eq3A : i32
    %jit3A_21 = arith.constant 1 : i32
    %select_n3A_22 = arith.select %eq3A_20, %jit3A_21, %jit3A_19 : i32
    %rem3A_23 = arith.remsi %add3A, %select_n3A_22 : i32
    %ne3A_24 = arith.constant 0 : i32
    %ne3A_25 = arith.cmpi ne, %rem3A_23, %ne3A_24 : i32
    %lt3A = arith.constant 0 : i32
    %lt3A_26 = arith.cmpi slt, %rem3A_23, %lt3A : i32
    %lt3A_27 = arith.constant 0 : i32
    %lt3A_28 = arith.cmpi slt, %select_n3A_22, %lt3A_27 : i32
    %ne3A_29 = arith.xori %lt3A_26, %lt3A_28 : i1
    %and3A_30 = arith.andi %ne3A_29, %ne3A_25 : i1
    %add3A_31 = arith.addi %rem3A_23, %select_n3A_22 : i32
    %select_n3A_32 = arith.select %and3A_30, %add3A_31, %rem3A_23 : i32
    %mul3A_33 = arith.constant 256 : i32
    %mul3A_34 = arith.muli %select_n3A_32, %mul3A_33 : i32
    "tpu.region"() ({
      %run_scoped3A = tpu.sem_alloc : memref<!tpu.dma_semaphore, #tpu.memory_space<semaphore_mem>>
      %dma_start3A_631 = tpu.memref_slice %arg2[%select_n3A, %mul3A_34] : memref<4x2048xi32, #tpu.memory_space<hbm>> -> memref<1x256xi32, #tpu.memory_space<hbm>>
      %dma_start3A_632 = tpu.memref_squeeze %dma_start3A_631 : memref<1x256xi32, #tpu.memory_space<hbm>> -> memref<256xi32, #tpu.memory_space<hbm>>
      %dma_start3A_633 = tpu.memref_slice %arg2[%select_n3A, %mul3A_34] : memref<4x2048xi32, #tpu.memory_space<hbm>> -> memref<1x256xi32, #tpu.memory_space<hbm>>
      %dma_start3A_634 = tpu.memref_squeeze %dma_start3A_633 : memref<1x256xi32, #tpu.memory_space<hbm>> -> memref<256xi32, #tpu.memory_space<hbm>>
      tpu.enqueue_dma source(%dma_start3A_634 : memref<256xi32, #tpu.memory_space<hbm>>) target(%arg5 : memref<256xi32, #tpu.memory_space<vmem>>) target_semaphore(%run_scoped3A : memref<!tpu.dma_semaphore, #tpu.memory_space<semaphore_mem>>)
      %dma_wait3A_635 = tpu.memref_slice %arg2[%select_n3A, %mul3A_34] : memref<4x2048xi32, #tpu.memory_space<hbm>> -> memref<1x256xi32, #tpu.memory_space<hbm>>
      %dma_wait3A_636 = tpu.memref_squeeze %dma_wait3A_635 : memref<1x256xi32, #tpu.memory_space<hbm>> -> memref<256xi32, #tpu.memory_space<hbm>>
      %dma_wait3A_637 = tpu.memref_slice %arg2[%select_n3A, %mul3A_34] : memref<4x2048xi32, #tpu.memory_space<hbm>> -> memref<1x256xi32, #tpu.memory_space<hbm>>
      %dma_wait3A_638 = tpu.memref_squeeze %dma_wait3A_637 : memref<1x256xi32, #tpu.memory_space<hbm>> -> memref<256xi32, #tpu.memory_space<hbm>>
      tpu.wait_dma2 semaphore(%run_scoped3A : memref<!tpu.dma_semaphore, #tpu.memory_space<semaphore_mem>>) src(%dma_wait3A_638 : memref<256xi32, #tpu.memory_space<hbm>>) dst(%arg5 : memref<256xi32, #tpu.memory_space<vmem>>)
      tpu.yield
    }) : () -> ()
    %dma_start3A = arith.constant 0 : i32
    %dma_start3A_35 = arith.constant 0 : i32
    %dma_start3A_36 = arith.constant 0 : i32
    %dma_start3A_37 = tpu.memref_slice %arg6[%dma_start3A, %dma_start3A_35, %dma_start3A_36] : memref<4x16x1024xf32, #tpu.memory_space<vmem>> -> memref<1x16x1024xf32, #tpu.memory_space<vmem>>
    %dma_start3A_38 = tpu.memref_squeeze %dma_start3A_37 : memref<1x16x1024xf32, #tpu.memory_space<vmem>> -> memref<16x1024xf32, #tpu.memory_space<vmem>>
    %dma_start3A_39 = arith.constant 0 : i32
    %dma_start3A_40 = tpu.memref_slice %arg5[%dma_start3A_39] : memref<256xi32, #tpu.memory_space<vmem>> -> memref<16xi32, #tpu.memory_space<vmem>>
    %dma_start3A_41 = arith.constant 0 : i32
    %dma_start3A_42 = arith.constant 0 : i32
    %dma_start3A_43 = tpu.memref_slice %arg3[%dma_start3A_41, %dma_start3A_42] : memref<100000x1024xf32, #tpu.memory_space<hbm>> -> memref<100000x1024xf32, #tpu.memory_space<hbm>>
    tpu.enqueue_indirect_dma source(%dma_start3A_43 : memref<100000x1024xf32, #tpu.memory_space<hbm>>) target(%dma_start3A_38 : memref<16x1024xf32, #tpu.memory_space<vmem>>) offsets(%dma_start3A_40 : memref<16xi32, #tpu.memory_space<vmem>>) semaphore(%arg8 : memref<!tpu.dma_semaphore, #tpu.memory_space<semaphore_mem>>)
    %dma_start3A_44 = arith.constant 1 : i32
    %dma_start3A_45 = arith.constant 0 : i32
    %dma_start3A_46 = arith.constant 0 : i32
    %dma_start3A_47 = tpu.memref_slice %arg6[%dma_start3A_44, %dma_start3A_45, %dma_start3A_46] : memref<4x16x1024xf32, #tpu.memory_space<vmem>> -> memref<1x16x1024xf32, #tpu.memory_space<vmem>>
    %dma_start3A_48 = tpu.memref_squeeze %dma_start3A_47 : memref<1x16x1024xf32, #tpu.memory_space<vmem>> -> memref<16x1024xf32, #tpu.memory_space<vmem>>
    %dma_start3A_49 = arith.constant 16 : i32
    %dma_start3A_50 = tpu.memref_slice %arg5[%dma_start3A_49] : memref<256xi32, #tpu.memory_space<vmem>> -> memref<16xi32, #tpu.memory_space<vmem>>
    %dma_start3A_51 = arith.constant 0 : i32
    %dma_start3A_52 = arith.constant 0 : i32
    %dma_start3A_53 = tpu.memref_slice %arg3[%dma_start3A_51, %dma_start3A_52] : memref<100000x1024xf32, #tpu.memory_space<hbm>> -> memref<100000x1024xf32, #tpu.memory_space<hbm>>
    tpu.enqueue_indirect_dma source(%dma_start3A_53 : memref<100000x1024xf32, #tpu.memory_space<hbm>>) target(%dma_start3A_48 : memref<16x1024xf32, #tpu.memory_space<vmem>>) offsets(%dma_start3A_50 : memref<16xi32, #tpu.memory_space<vmem>>) semaphore(%arg8 : memref<!tpu.dma_semaphore, #tpu.memory_space<semaphore_mem>>)
    %dma_start3A_54 = arith.constant 2 : i32
    %dma_start3A_55 = arith.constant 0 : i32
    %dma_start3A_56 = arith.constant 0 : i32
    %dma_start3A_57 = tpu.memref_slice %arg6[%dma_start3A_54, %dma_start3A_55, %dma_start3A_56] : memref<4x16x1024xf32, #tpu.memory_space<vmem>> -> memref<1x16x1024xf32, #tpu.memory_space<vmem>>
    %dma_start3A_58 = tpu.memref_squeeze %dma_start3A_57 : memref<1x16x1024xf32, #tpu.memory_space<vmem>> -> memref<16x1024xf32, #tpu.memory_space<vmem>>
    %dma_start3A_59 = arith.constant 32 : i32
    %dma_start3A_60 = tpu.memref_slice %arg5[%dma_start3A_59] : memref<256xi32, #tpu.memory_space<vmem>> -> memref<16xi32, #tpu.memory_space<vmem>>
    %dma_start3A_61 = arith.constant 0 : i32
    %dma_start3A_62 = arith.constant 0 : i32
    %dma_start3A_63 = tpu.memref_slice %arg3[%dma_start3A_61, %dma_start3A_62] : memref<100000x1024xf32, #tpu.memory_space<hbm>> -> memref<100000x1024xf32, #tpu.memory_space<hbm>>
    tpu.enqueue_indirect_dma source(%dma_start3A_63 : memref<100000x1024xf32, #tpu.memory_space<hbm>>) target(%dma_start3A_58 : memref<16x1024xf32, #tpu.memory_space<vmem>>) offsets(%dma_start3A_60 : memref<16xi32, #tpu.memory_space<vmem>>) semaphore(%arg8 : memref<!tpu.dma_semaphore, #tpu.memory_space<semaphore_mem>>)
    %dma_start3A_64 = arith.constant 3 : i32
    %dma_start3A_65 = arith.constant 0 : i32
    %dma_start3A_66 = arith.constant 0 : i32
    %dma_start3A_67 = tpu.memref_slice %arg6[%dma_start3A_64, %dma_start3A_65, %dma_start3A_66] : memref<4x16x1024xf32, #tpu.memory_space<vmem>> -> memref<1x16x1024xf32, #tpu.memory_space<vmem>>
    %dma_start3A_68 = tpu.memref_squeeze %dma_start3A_67 : memref<1x16x1024xf32, #tpu.memory_space<vmem>> -> memref<16x1024xf32, #tpu.memory_space<vmem>>
    %dma_start3A_69 = arith.constant 48 : i32
    %dma_start3A_70 = tpu.memref_slice %arg5[%dma_start3A_69] : memref<256xi32, #tpu.memory_space<vmem>> -> memref<16xi32, #tpu.memory_space<vmem>>
    %dma_start3A_71 = arith.constant 0 : i32
    %dma_start3A_72 = arith.constant 0 : i32
    %dma_start3A_73 = tpu.memref_slice %arg3[%dma_start3A_71, %dma_start3A_72] : memref<100000x1024xf32, #tpu.memory_space<hbm>> -> memref<100000x1024xf32, #tpu.memory_space<hbm>>
    tpu.enqueue_indirect_dma source(%dma_start3A_73 : memref<100000x1024xf32, #tpu.memory_space<hbm>>) target(%dma_start3A_68 : memref<16x1024xf32, #tpu.memory_space<vmem>>) offsets(%dma_start3A_70 : memref<16xi32, #tpu.memory_space<vmem>>) semaphore(%arg8 : memref<!tpu.dma_semaphore, #tpu.memory_space<semaphore_mem>>)
    %dma_wait3A = arith.constant 0 : i32
    %dma_wait3A_74 = arith.constant 0 : i32
    %dma_wait3A_75 = arith.constant 0 : i32
    %dma_wait3A_76 = tpu.memref_slice %arg6[%dma_wait3A, %dma_wait3A_74, %dma_wait3A_75] : memref<4x16x1024xf32, #tpu.memory_space<vmem>> -> memref<1x16x1024xf32, #tpu.memory_space<vmem>>
    %dma_wait3A_77 = tpu.memref_squeeze %dma_wait3A_76 : memref<1x16x1024xf32, #tpu.memory_space<vmem>> -> memref<16x1024xf32, #tpu.memory_space<vmem>>
    %dma_wait3A_78 = arith.constant 0 : i32
    %dma_wait3A_79 = tpu.memref_slice %arg5[%dma_wait3A_78] : memref<256xi32, #tpu.memory_space<vmem>> -> memref<16xi32, #tpu.memory_space<vmem>>
    %dma_wait3A_80 = arith.constant 0 : i32
    %dma_wait3A_81 = arith.constant 0 : i32
    %dma_wait3A_82 = tpu.memref_slice %arg3[%dma_wait3A_80, %dma_wait3A_81] : memref<100000x1024xf32, #tpu.memory_space<hbm>> -> memref<100000x1024xf32, #tpu.memory_space<hbm>>
    tpu.wait_indirect_dma semaphore(%arg8 : memref<!tpu.dma_semaphore, #tpu.memory_space<semaphore_mem>>) src(%dma_wait3A_82 : memref<100000x1024xf32, #tpu.memory_space<hbm>>) dst(%dma_wait3A_77 : memref<16x1024xf32, #tpu.memory_space<vmem>>)
    %dma_start3A_83 = arith.constant 0 : i32
    %dma_start3A_84 = arith.constant 0 : i32
    %dma_start3A_85 = arith.constant 0 : i32
    %dma_start3A_86 = arith.constant 0 : i32
    %dma_start3A_87 = tpu.memref_slice %arg6[%dma_start3A_83, %dma_start3A_85, %dma_start3A_86] : memref<4x16x1024xf32, #tpu.memory_space<vmem>> -> memref<1x16x1024xf32, #tpu.memory_space<vmem>>
    %dma_start3A_88 = tpu.memref_squeeze %dma_start3A_87 : memref<1x16x1024xf32, #tpu.memory_space<vmem>> -> memref<16x1024xf32, #tpu.memory_space<vmem>>
    %dma_start3A_89 = arith.constant 0 : i32
    %dma_start3A_90 = arith.constant 0 : i32
    %dma_start3A_91 = tpu.memref_slice %arg7[%arg1, %dma_start3A_84, %dma_start3A_89, %dma_start3A_90] : memref<16x2x16x1024xf32, #tpu.memory_space<vmem_shared>> -> memref<1x1x16x1024xf32, #tpu.memory_space<vmem_shared>>
    %dma_start3A_92 = tpu.memref_squeeze %dma_start3A_91 : memref<1x1x16x1024xf32, #tpu.memory_space<vmem_shared>> -> memref<16x1024xf32, #tpu.memory_space<vmem_shared>>
    %dma_start3A_93 = arith.constant 0 : i32
    %dma_start3A_94 = arith.constant 0 : i32
    %dma_start3A_95 = tpu.memref_slice %arg7[%arg1, %dma_start3A_84, %dma_start3A_93, %dma_start3A_94] : memref<16x2x16x1024xf32, #tpu.memory_space<vmem_shared>> -> memref<1x1x16x1024xf32, #tpu.memory_space<vmem_shared>>
    %dma_start3A_96 = tpu.memref_squeeze %dma_start3A_95 : memref<1x1x16x1024xf32, #tpu.memory_space<vmem_shared>> -> memref<16x1024xf32, #tpu.memory_space<vmem_shared>>
    %dma_start3A_97 = arith.constant 0 : i32
    %dma_start3A_98 = arith.constant 0 : i32
    %dma_start3A_99 = tpu.memref_slice %arg6[%dma_start3A_83, %dma_start3A_97, %dma_start3A_98] : memref<4x16x1024xf32, #tpu.memory_space<vmem>> -> memref<1x16x1024xf32, #tpu.memory_space<vmem>>
    %dma_start3A_100 = tpu.memref_squeeze %dma_start3A_99 : memref<1x16x1024xf32, #tpu.memory_space<vmem>> -> memref<16x1024xf32, #tpu.memory_space<vmem>>
    tpu.enqueue_dma source(%dma_start3A_100 : memref<16x1024xf32, #tpu.memory_space<vmem>>) target(%dma_start3A_96 : memref<16x1024xf32, #tpu.memory_space<vmem_shared>>) target_semaphore(%arg9 : memref<!tpu.dma_semaphore, #tpu.memory_space<semaphore_mem>>)
    %dma_wait3A_101 = arith.constant 0 : i32
    %dma_wait3A_102 = arith.constant 0 : i32
    %dma_wait3A_103 = arith.constant 0 : i32
    %dma_wait3A_104 = arith.constant 0 : i32
    %dma_wait3A_105 = tpu.memref_slice %arg6[%dma_wait3A_101, %dma_wait3A_103, %dma_wait3A_104] : memref<4x16x1024xf32, #tpu.memory_space<vmem>> -> memref<1x16x1024xf32, #tpu.memory_space<vmem>>
    %dma_wait3A_106 = tpu.memref_squeeze %dma_wait3A_105 : memref<1x16x1024xf32, #tpu.memory_space<vmem>> -> memref<16x1024xf32, #tpu.memory_space<vmem>>
    %dma_wait3A_107 = arith.constant 0 : i32
    %dma_wait3A_108 = arith.constant 0 : i32
    %dma_wait3A_109 = tpu.memref_slice %arg7[%arg1, %dma_wait3A_102, %dma_wait3A_107, %dma_wait3A_108] : memref<16x2x16x1024xf32, #tpu.memory_space<vmem_shared>> -> memref<1x1x16x1024xf32, #tpu.memory_space<vmem_shared>>
    %dma_wait3A_110 = tpu.memref_squeeze %dma_wait3A_109 : memref<1x1x16x1024xf32, #tpu.memory_space<vmem_shared>> -> memref<16x1024xf32, #tpu.memory_space<vmem_shared>>
    %dma_wait3A_111 = arith.constant 0 : i32
    %dma_wait3A_112 = arith.constant 0 : i32
    %dma_wait3A_113 = tpu.memref_slice %arg7[%arg1, %dma_wait3A_102, %dma_wait3A_111, %dma_wait3A_112] : memref<16x2x16x1024xf32, #tpu.memory_space<vmem_shared>> -> memref<1x1x16x1024xf32, #tpu.memory_space<vmem_shared>>
    %dma_wait3A_114 = tpu.memref_squeeze %dma_wait3A_113 : memref<1x1x16x1024xf32, #tpu.memory_space<vmem_shared>> -> memref<16x1024xf32, #tpu.memory_space<vmem_shared>>
    %dma_wait3A_115 = arith.constant 0 : i32
    %dma_wait3A_116 = arith.constant 0 : i32
    %dma_wait3A_117 = tpu.memref_slice %arg6[%dma_wait3A_101, %dma_wait3A_115, %dma_wait3A_116] : memref<4x16x1024xf32, #tpu.memory_space<vmem>> -> memref<1x16x1024xf32, #tpu.memory_space<vmem>>
    %dma_wait3A_118 = tpu.memref_squeeze %dma_wait3A_117 : memref<1x16x1024xf32, #tpu.memory_space<vmem>> -> memref<16x1024xf32, #tpu.memory_space<vmem>>
    tpu.wait_dma2 semaphore(%arg9 : memref<!tpu.dma_semaphore, #tpu.memory_space<semaphore_mem>>) src(%dma_wait3A_118 : memref<16x1024xf32, #tpu.memory_space<vmem>>) dst(%dma_wait3A_114 : memref<16x1024xf32, #tpu.memory_space<vmem_shared>>)
    %dma_start3A_119 = arith.constant 0 : i32
    %dma_start3A_120 = arith.constant 0 : i32
    %dma_start3A_121 = arith.constant 0 : i32
    %dma_start3A_122 = tpu.memref_slice %arg6[%dma_start3A_119, %dma_start3A_120, %dma_start3A_121] : memref<4x16x1024xf32, #tpu.memory_space<vmem>> -> memref<1x16x1024xf32, #tpu.memory_space<vmem>>
    %dma_start3A_123 = tpu.memref_squeeze %dma_start3A_122 : memref<1x16x1024xf32, #tpu.memory_space<vmem>> -> memref<16x1024xf32, #tpu.memory_space<vmem>>
    %dma_start3A_124 = arith.constant 64 : i32
    %dma_start3A_125 = tpu.memref_slice %arg5[%dma_start3A_124] : memref<256xi32, #tpu.memory_space<vmem>> -> memref<16xi32, #tpu.memory_space<vmem>>
    %dma_start3A_126 = arith.constant 0 : i32
    %dma_start3A_127 = arith.constant 0 : i32
    %dma_start3A_128 = tpu.memref_slice %arg3[%dma_start3A_126, %dma_start3A_127] : memref<100000x1024xf32, #tpu.memory_space<hbm>> -> memref<100000x1024xf32, #tpu.memory_space<hbm>>
    tpu.enqueue_indirect_dma source(%dma_start3A_128 : memref<100000x1024xf32, #tpu.memory_space<hbm>>) target(%dma_start3A_123 : memref<16x1024xf32, #tpu.memory_space<vmem>>) offsets(%dma_start3A_125 : memref<16xi32, #tpu.memory_space<vmem>>) semaphore(%arg8 : memref<!tpu.dma_semaphore, #tpu.memory_space<semaphore_mem>>)
    %add3A_129 = arith.constant 0 : i32
    %add3A_130 = arith.addi %mul3A_2, %add3A_129 : i32
    %dma_start3A_131 = arith.constant 0 : i32
    %dma_start3A_132 = arith.constant 0 : i32
    %dma_start3A_133 = tpu.memref_slice %arg4[%add3A_130, %dma_start3A_132] : memref<8192x1024xf32, #tpu.memory_space<hbm>> -> memref<16x1024xf32, #tpu.memory_space<hbm>>
    %dma_start3A_134 = arith.constant 0 : i32
    %dma_start3A_135 = arith.constant 0 : i32
    %dma_start3A_136 = tpu.memref_slice %arg7[%arg1, %dma_start3A_131, %dma_start3A_134, %dma_start3A_135] : memref<16x2x16x1024xf32, #tpu.memory_space<vmem_shared>> -> memref<1x1x16x1024xf32, #tpu.memory_space<vmem_shared>>
    %dma_start3A_137 = tpu.memref_squeeze %dma_start3A_136 : memref<1x1x16x1024xf32, #tpu.memory_space<vmem_shared>> -> memref<16x1024xf32, #tpu.memory_space<vmem_shared>>
    tpu.enqueue_dma source(%dma_start3A_137 : memref<16x1024xf32, #tpu.memory_space<vmem_shared>>) target(%dma_start3A_133 : memref<16x1024xf32, #tpu.memory_space<hbm>>) target_semaphore(%arg10 : memref<!tpu.dma_semaphore, #tpu.memory_space<semaphore_mem>>)
    %dma_wait3A_138 = arith.constant 1 : i32
    %dma_wait3A_139 = arith.constant 0 : i32
    %dma_wait3A_140 = arith.constant 0 : i32
    %dma_wait3A_141 = tpu.memref_slice %arg6[%dma_wait3A_138, %dma_wait3A_139, %dma_wait3A_140] : memref<4x16x1024xf32, #tpu.memory_space<vmem>> -> memref<1x16x1024xf32, #tpu.memory_space<vmem>>
    %dma_wait3A_142 = tpu.memref_squeeze %dma_wait3A_141 : memref<1x16x1024xf32, #tpu.memory_space<vmem>> -> memref<16x1024xf32, #tpu.memory_space<vmem>>
    %dma_wait3A_143 = arith.constant 16 : i32
    %dma_wait3A_144 = tpu.memref_slice %arg5[%dma_wait3A_143] : memref<256xi32, #tpu.memory_space<vmem>> -> memref<16xi32, #tpu.memory_space<vmem>>
    %dma_wait3A_145 = arith.constant 0 : i32
    %dma_wait3A_146 = arith.constant 0 : i32
    %dma_wait3A_147 = tpu.memref_slice %arg3[%dma_wait3A_145, %dma_wait3A_146] : memref<100000x1024xf32, #tpu.memory_space<hbm>> -> memref<100000x1024xf32, #tpu.memory_space<hbm>>
    tpu.wait_indirect_dma semaphore(%arg8 : memref<!tpu.dma_semaphore, #tpu.memory_space<semaphore_mem>>) src(%dma_wait3A_147 : memref<100000x1024xf32, #tpu.memory_space<hbm>>) dst(%dma_wait3A_142 : memref<16x1024xf32, #tpu.memory_space<vmem>>)
    %dma_start3A_148 = arith.constant 1 : i32
    %dma_start3A_149 = arith.constant 1 : i32
    %dma_start3A_150 = arith.constant 0 : i32
    %dma_start3A_151 = arith.constant 0 : i32
    %dma_start3A_152 = tpu.memref_slice %arg6[%dma_start3A_148, %dma_start3A_150, %dma_start3A_151] : memref<4x16x1024xf32, #tpu.memory_space<vmem>> -> memref<1x16x1024xf32, #tpu.memory_space<vmem>>
    %dma_start3A_153 = tpu.memref_squeeze %dma_start3A_152 : memref<1x16x1024xf32, #tpu.memory_space<vmem>> -> memref<16x1024xf32, #tpu.memory_space<vmem>>
    %dma_start3A_154 = arith.constant 0 : i32
    %dma_start3A_155 = arith.constant 0 : i32
    %dma_start3A_156 = tpu.memref_slice %arg7[%arg1, %dma_start3A_149, %dma_start3A_154, %dma_start3A_155] : memref<16x2x16x1024xf32, #tpu.memory_space<vmem_shared>> -> memref<1x1x16x1024xf32, #tpu.memory_space<vmem_shared>>
    %dma_start3A_157 = tpu.memref_squeeze %dma_start3A_156 : memref<1x1x16x1024xf32, #tpu.memory_space<vmem_shared>> -> memref<16x1024xf32, #tpu.memory_space<vmem_shared>>
    %dma_start3A_158 = arith.constant 0 : i32
    %dma_start3A_159 = arith.constant 0 : i32
    %dma_start3A_160 = tpu.memref_slice %arg7[%arg1, %dma_start3A_149, %dma_start3A_158, %dma_start3A_159] : memref<16x2x16x1024xf32, #tpu.memory_space<vmem_shared>> -> memref<1x1x16x1024xf32, #tpu.memory_space<vmem_shared>>
    %dma_start3A_161 = tpu.memref_squeeze %dma_start3A_160 : memref<1x1x16x1024xf32, #tpu.memory_space<vmem_shared>> -> memref<16x1024xf32, #tpu.memory_space<vmem_shared>>
    %dma_start3A_162 = arith.constant 0 : i32
    %dma_start3A_163 = arith.constant 0 : i32
    %dma_start3A_164 = tpu.memref_slice %arg6[%dma_start3A_148, %dma_start3A_162, %dma_start3A_163] : memref<4x16x1024xf32, #tpu.memory_space<vmem>> -> memref<1x16x1024xf32, #tpu.memory_space<vmem>>
    %dma_start3A_165 = tpu.memref_squeeze %dma_start3A_164 : memref<1x16x1024xf32, #tpu.memory_space<vmem>> -> memref<16x1024xf32, #tpu.memory_space<vmem>>
    tpu.enqueue_dma source(%dma_start3A_165 : memref<16x1024xf32, #tpu.memory_space<vmem>>) target(%dma_start3A_161 : memref<16x1024xf32, #tpu.memory_space<vmem_shared>>) target_semaphore(%arg9 : memref<!tpu.dma_semaphore, #tpu.memory_space<semaphore_mem>>)
    %dma_wait3A_166 = arith.constant 1 : i32
    %dma_wait3A_167 = arith.constant 1 : i32
    %dma_wait3A_168 = arith.constant 0 : i32
    %dma_wait3A_169 = arith.constant 0 : i32
    %dma_wait3A_170 = tpu.memref_slice %arg6[%dma_wait3A_166, %dma_wait3A_168, %dma_wait3A_169] : memref<4x16x1024xf32, #tpu.memory_space<vmem>> -> memref<1x16x1024xf32, #tpu.memory_space<vmem>>
    %dma_wait3A_171 = tpu.memref_squeeze %dma_wait3A_170 : memref<1x16x1024xf32, #tpu.memory_space<vmem>> -> memref<16x1024xf32, #tpu.memory_space<vmem>>
    %dma_wait3A_172 = arith.constant 0 : i32
    %dma_wait3A_173 = arith.constant 0 : i32
    %dma_wait3A_174 = tpu.memref_slice %arg7[%arg1, %dma_wait3A_167, %dma_wait3A_172, %dma_wait3A_173] : memref<16x2x16x1024xf32, #tpu.memory_space<vmem_shared>> -> memref<1x1x16x1024xf32, #tpu.memory_space<vmem_shared>>
    %dma_wait3A_175 = tpu.memref_squeeze %dma_wait3A_174 : memref<1x1x16x1024xf32, #tpu.memory_space<vmem_shared>> -> memref<16x1024xf32, #tpu.memory_space<vmem_shared>>
    %dma_wait3A_176 = arith.constant 0 : i32
    %dma_wait3A_177 = arith.constant 0 : i32
    %dma_wait3A_178 = tpu.memref_slice %arg7[%arg1, %dma_wait3A_167, %dma_wait3A_176, %dma_wait3A_177] : memref<16x2x16x1024xf32, #tpu.memory_space<vmem_shared>> -> memref<1x1x16x1024xf32, #tpu.memory_space<vmem_shared>>
    %dma_wait3A_179 = tpu.memref_squeeze %dma_wait3A_178 : memref<1x1x16x1024xf32, #tpu.memory_space<vmem_shared>> -> memref<16x1024xf32, #tpu.memory_space<vmem_shared>>
    %dma_wait3A_180 = arith.constant 0 : i32
    %dma_wait3A_181 = arith.constant 0 : i32
    %dma_wait3A_182 = tpu.memref_slice %arg6[%dma_wait3A_166, %dma_wait3A_180, %dma_wait3A_181] : memref<4x16x1024xf32, #tpu.memory_space<vmem>> -> memref<1x16x1024xf32, #tpu.memory_space<vmem>>
    %dma_wait3A_183 = tpu.memref_squeeze %dma_wait3A_182 : memref<1x16x1024xf32, #tpu.memory_space<vmem>> -> memref<16x1024xf32, #tpu.memory_space<vmem>>
    tpu.wait_dma2 semaphore(%arg9 : memref<!tpu.dma_semaphore, #tpu.memory_space<semaphore_mem>>) src(%dma_wait3A_183 : memref<16x1024xf32, #tpu.memory_space<vmem>>) dst(%dma_wait3A_179 : memref<16x1024xf32, #tpu.memory_space<vmem_shared>>)
    %dma_start3A_184 = arith.constant 1 : i32
    %dma_start3A_185 = arith.constant 0 : i32
    %dma_start3A_186 = arith.constant 0 : i32
    %dma_start3A_187 = tpu.memref_slice %arg6[%dma_start3A_184, %dma_start3A_185, %dma_start3A_186] : memref<4x16x1024xf32, #tpu.memory_space<vmem>> -> memref<1x16x1024xf32, #tpu.memory_space<vmem>>
    %dma_start3A_188 = tpu.memref_squeeze %dma_start3A_187 : memref<1x16x1024xf32, #tpu.memory_space<vmem>> -> memref<16x1024xf32, #tpu.memory_space<vmem>>
    %dma_start3A_189 = arith.constant 80 : i32
    %dma_start3A_190 = tpu.memref_slice %arg5[%dma_start3A_189] : memref<256xi32, #tpu.memory_space<vmem>> -> memref<16xi32, #tpu.memory_space<vmem>>
    %dma_start3A_191 = arith.constant 0 : i32
    %dma_start3A_192 = arith.constant 0 : i32
    %dma_start3A_193 = tpu.memref_slice %arg3[%dma_start3A_191, %dma_start3A_192] : memref<100000x1024xf32, #tpu.memory_space<hbm>> -> memref<100000x1024xf32, #tpu.memory_space<hbm>>
    tpu.enqueue_indirect_dma source(%dma_start3A_193 : memref<100000x1024xf32, #tpu.memory_space<hbm>>) target(%dma_start3A_188 : memref<16x1024xf32, #tpu.memory_space<vmem>>) offsets(%dma_start3A_190 : memref<16xi32, #tpu.memory_space<vmem>>) semaphore(%arg8 : memref<!tpu.dma_semaphore, #tpu.memory_space<semaphore_mem>>)
    %add3A_194 = arith.constant 16 : i32
    %add3A_195 = arith.addi %mul3A_2, %add3A_194 : i32
    %dma_start3A_196 = arith.constant 1 : i32
    %dma_start3A_197 = arith.constant 0 : i32
    %dma_start3A_198 = tpu.memref_slice %arg4[%add3A_195, %dma_start3A_197] : memref<8192x1024xf32, #tpu.memory_space<hbm>> -> memref<16x1024xf32, #tpu.memory_space<hbm>>
    %dma_start3A_199 = arith.constant 0 : i32
    %dma_start3A_200 = arith.constant 0 : i32
    %dma_start3A_201 = tpu.memref_slice %arg7[%arg1, %dma_start3A_196, %dma_start3A_199, %dma_start3A_200] : memref<16x2x16x1024xf32, #tpu.memory_space<vmem_shared>> -> memref<1x1x16x1024xf32, #tpu.memory_space<vmem_shared>>
    %dma_start3A_202 = tpu.memref_squeeze %dma_start3A_201 : memref<1x1x16x1024xf32, #tpu.memory_space<vmem_shared>> -> memref<16x1024xf32, #tpu.memory_space<vmem_shared>>
    tpu.enqueue_dma source(%dma_start3A_202 : memref<16x1024xf32, #tpu.memory_space<vmem_shared>>) target(%dma_start3A_198 : memref<16x1024xf32, #tpu.memory_space<hbm>>) target_semaphore(%arg10 : memref<!tpu.dma_semaphore, #tpu.memory_space<semaphore_mem>>)
    %dma_wait3A_203 = arith.constant 2 : i32
    %dma_wait3A_204 = arith.constant 0 : i32
    %dma_wait3A_205 = arith.constant 0 : i32
    %dma_wait3A_206 = tpu.memref_slice %arg6[%dma_wait3A_203, %dma_wait3A_204, %dma_wait3A_205] : memref<4x16x1024xf32, #tpu.memory_space<vmem>> -> memref<1x16x1024xf32, #tpu.memory_space<vmem>>
    %dma_wait3A_207 = tpu.memref_squeeze %dma_wait3A_206 : memref<1x16x1024xf32, #tpu.memory_space<vmem>> -> memref<16x1024xf32, #tpu.memory_space<vmem>>
    %dma_wait3A_208 = arith.constant 32 : i32
    %dma_wait3A_209 = tpu.memref_slice %arg5[%dma_wait3A_208] : memref<256xi32, #tpu.memory_space<vmem>> -> memref<16xi32, #tpu.memory_space<vmem>>
    %dma_wait3A_210 = arith.constant 0 : i32
    %dma_wait3A_211 = arith.constant 0 : i32
    %dma_wait3A_212 = tpu.memref_slice %arg3[%dma_wait3A_210, %dma_wait3A_211] : memref<100000x1024xf32, #tpu.memory_space<hbm>> -> memref<100000x1024xf32, #tpu.memory_space<hbm>>
    tpu.wait_indirect_dma semaphore(%arg8 : memref<!tpu.dma_semaphore, #tpu.memory_space<semaphore_mem>>) src(%dma_wait3A_212 : memref<100000x1024xf32, #tpu.memory_space<hbm>>) dst(%dma_wait3A_207 : memref<16x1024xf32, #tpu.memory_space<vmem>>)
    %add3A_213 = arith.constant 0 : i32
    %add3A_214 = arith.addi %mul3A_2, %add3A_213 : i32
    %dma_wait3A_215 = arith.constant 0 : i32
    %dma_wait3A_216 = arith.constant 0 : i32
    %dma_wait3A_217 = tpu.memref_slice %arg4[%add3A_214, %dma_wait3A_216] : memref<8192x1024xf32, #tpu.memory_space<hbm>> -> memref<16x1024xf32, #tpu.memory_space<hbm>>
    %dma_wait3A_218 = arith.constant 0 : i32
    %dma_wait3A_219 = arith.constant 0 : i32
    %dma_wait3A_220 = tpu.memref_slice %arg7[%arg1, %dma_wait3A_215, %dma_wait3A_218, %dma_wait3A_219] : memref<16x2x16x1024xf32, #tpu.memory_space<vmem_shared>> -> memref<1x1x16x1024xf32, #tpu.memory_space<vmem_shared>>
    %dma_wait3A_221 = tpu.memref_squeeze %dma_wait3A_220 : memref<1x1x16x1024xf32, #tpu.memory_space<vmem_shared>> -> memref<16x1024xf32, #tpu.memory_space<vmem_shared>>
    tpu.wait_dma2 semaphore(%arg10 : memref<!tpu.dma_semaphore, #tpu.memory_space<semaphore_mem>>) src(%dma_wait3A_221 : memref<16x1024xf32, #tpu.memory_space<vmem_shared>>) dst(%dma_wait3A_217 : memref<16x1024xf32, #tpu.memory_space<hbm>>)
    %dma_start3A_222 = arith.constant 2 : i32
    %dma_start3A_223 = arith.constant 0 : i32
    %dma_start3A_224 = arith.constant 0 : i32
    %dma_start3A_225 = arith.constant 0 : i32
    %dma_start3A_226 = tpu.memref_slice %arg6[%dma_start3A_222, %dma_start3A_224, %dma_start3A_225] : memref<4x16x1024xf32, #tpu.memory_space<vmem>> -> memref<1x16x1024xf32, #tpu.memory_space<vmem>>
    %dma_start3A_227 = tpu.memref_squeeze %dma_start3A_226 : memref<1x16x1024xf32, #tpu.memory_space<vmem>> -> memref<16x1024xf32, #tpu.memory_space<vmem>>
    %dma_start3A_228 = arith.constant 0 : i32
    %dma_start3A_229 = arith.constant 0 : i32
    %dma_start3A_230 = tpu.memref_slice %arg7[%arg1, %dma_start3A_223, %dma_start3A_228, %dma_start3A_229] : memref<16x2x16x1024xf32, #tpu.memory_space<vmem_shared>> -> memref<1x1x16x1024xf32, #tpu.memory_space<vmem_shared>>
    %dma_start3A_231 = tpu.memref_squeeze %dma_start3A_230 : memref<1x1x16x1024xf32, #tpu.memory_space<vmem_shared>> -> memref<16x1024xf32, #tpu.memory_space<vmem_shared>>
    %dma_start3A_232 = arith.constant 0 : i32
    %dma_start3A_233 = arith.constant 0 : i32
    %dma_start3A_234 = tpu.memref_slice %arg7[%arg1, %dma_start3A_223, %dma_start3A_232, %dma_start3A_233] : memref<16x2x16x1024xf32, #tpu.memory_space<vmem_shared>> -> memref<1x1x16x1024xf32, #tpu.memory_space<vmem_shared>>
    %dma_start3A_235 = tpu.memref_squeeze %dma_start3A_234 : memref<1x1x16x1024xf32, #tpu.memory_space<vmem_shared>> -> memref<16x1024xf32, #tpu.memory_space<vmem_shared>>
    %dma_start3A_236 = arith.constant 0 : i32
    %dma_start3A_237 = arith.constant 0 : i32
    %dma_start3A_238 = tpu.memref_slice %arg6[%dma_start3A_222, %dma_start3A_236, %dma_start3A_237] : memref<4x16x1024xf32, #tpu.memory_space<vmem>> -> memref<1x16x1024xf32, #tpu.memory_space<vmem>>
    %dma_start3A_239 = tpu.memref_squeeze %dma_start3A_238 : memref<1x16x1024xf32, #tpu.memory_space<vmem>> -> memref<16x1024xf32, #tpu.memory_space<vmem>>
    tpu.enqueue_dma source(%dma_start3A_239 : memref<16x1024xf32, #tpu.memory_space<vmem>>) target(%dma_start3A_235 : memref<16x1024xf32, #tpu.memory_space<vmem_shared>>) target_semaphore(%arg9 : memref<!tpu.dma_semaphore, #tpu.memory_space<semaphore_mem>>)
    %dma_wait3A_240 = arith.constant 2 : i32
    %dma_wait3A_241 = arith.constant 0 : i32
    %dma_wait3A_242 = arith.constant 0 : i32
    %dma_wait3A_243 = arith.constant 0 : i32
    %dma_wait3A_244 = tpu.memref_slice %arg6[%dma_wait3A_240, %dma_wait3A_242, %dma_wait3A_243] : memref<4x16x1024xf32, #tpu.memory_space<vmem>> -> memref<1x16x1024xf32, #tpu.memory_space<vmem>>
    %dma_wait3A_245 = tpu.memref_squeeze %dma_wait3A_244 : memref<1x16x1024xf32, #tpu.memory_space<vmem>> -> memref<16x1024xf32, #tpu.memory_space<vmem>>
    %dma_wait3A_246 = arith.constant 0 : i32
    %dma_wait3A_247 = arith.constant 0 : i32
    %dma_wait3A_248 = tpu.memref_slice %arg7[%arg1, %dma_wait3A_241, %dma_wait3A_246, %dma_wait3A_247] : memref<16x2x16x1024xf32, #tpu.memory_space<vmem_shared>> -> memref<1x1x16x1024xf32, #tpu.memory_space<vmem_shared>>
    %dma_wait3A_249 = tpu.memref_squeeze %dma_wait3A_248 : memref<1x1x16x1024xf32, #tpu.memory_space<vmem_shared>> -> memref<16x1024xf32, #tpu.memory_space<vmem_shared>>
    %dma_wait3A_250 = arith.constant 0 : i32
    %dma_wait3A_251 = arith.constant 0 : i32
    %dma_wait3A_252 = tpu.memref_slice %arg7[%arg1, %dma_wait3A_241, %dma_wait3A_250, %dma_wait3A_251] : memref<16x2x16x1024xf32, #tpu.memory_space<vmem_shared>> -> memref<1x1x16x1024xf32, #tpu.memory_space<vmem_shared>>
    %dma_wait3A_253 = tpu.memref_squeeze %dma_wait3A_252 : memref<1x1x16x1024xf32, #tpu.memory_space<vmem_shared>> -> memref<16x1024xf32, #tpu.memory_space<vmem_shared>>
    %dma_wait3A_254 = arith.constant 0 : i32
    %dma_wait3A_255 = arith.constant 0 : i32
    %dma_wait3A_256 = tpu.memref_slice %arg6[%dma_wait3A_240, %dma_wait3A_254, %dma_wait3A_255] : memref<4x16x1024xf32, #tpu.memory_space<vmem>> -> memref<1x16x1024xf32, #tpu.memory_space<vmem>>
    %dma_wait3A_257 = tpu.memref_squeeze %dma_wait3A_256 : memref<1x16x1024xf32, #tpu.memory_space<vmem>> -> memref<16x1024xf32, #tpu.memory_space<vmem>>
    tpu.wait_dma2 semaphore(%arg9 : memref<!tpu.dma_semaphore, #tpu.memory_space<semaphore_mem>>) src(%dma_wait3A_257 : memref<16x1024xf32, #tpu.memory_space<vmem>>) dst(%dma_wait3A_253 : memref<16x1024xf32, #tpu.memory_space<vmem_shared>>)
    %dma_start3A_258 = arith.constant 2 : i32
    %dma_start3A_259 = arith.constant 0 : i32
    %dma_start3A_260 = arith.constant 0 : i32
    %dma_start3A_261 = tpu.memref_slice %arg6[%dma_start3A_258, %dma_start3A_259, %dma_start3A_260] : memref<4x16x1024xf32, #tpu.memory_space<vmem>> -> memref<1x16x1024xf32, #tpu.memory_space<vmem>>
    %dma_start3A_262 = tpu.memref_squeeze %dma_start3A_261 : memref<1x16x1024xf32, #tpu.memory_space<vmem>> -> memref<16x1024xf32, #tpu.memory_space<vmem>>
    %dma_start3A_263 = arith.constant 96 : i32
    %dma_start3A_264 = tpu.memref_slice %arg5[%dma_start3A_263] : memref<256xi32, #tpu.memory_space<vmem>> -> memref<16xi32, #tpu.memory_space<vmem>>
    %dma_start3A_265 = arith.constant 0 : i32
    %dma_start3A_266 = arith.constant 0 : i32
    %dma_start3A_267 = tpu.memref_slice %arg3[%dma_start3A_265, %dma_start3A_266] : memref<100000x1024xf32, #tpu.memory_space<hbm>> -> memref<100000x1024xf32, #tpu.memory_space<hbm>>
    tpu.enqueue_indirect_dma source(%dma_start3A_267 : memref<100000x1024xf32, #tpu.memory_space<hbm>>) target(%dma_start3A_262 : memref<16x1024xf32, #tpu.memory_space<vmem>>) offsets(%dma_start3A_264 : memref<16xi32, #tpu.memory_space<vmem>>) semaphore(%arg8 : memref<!tpu.dma_semaphore, #tpu.memory_space<semaphore_mem>>)
    %add3A_268 = arith.constant 32 : i32
    %add3A_269 = arith.addi %mul3A_2, %add3A_268 : i32
    %dma_start3A_270 = arith.constant 0 : i32
    %dma_start3A_271 = arith.constant 0 : i32
    %dma_start3A_272 = tpu.memref_slice %arg4[%add3A_269, %dma_start3A_271] : memref<8192x1024xf32, #tpu.memory_space<hbm>> -> memref<16x1024xf32, #tpu.memory_space<hbm>>
    %dma_start3A_273 = arith.constant 0 : i32
    %dma_start3A_274 = arith.constant 0 : i32
    %dma_start3A_275 = tpu.memref_slice %arg7[%arg1, %dma_start3A_270, %dma_start3A_273, %dma_start3A_274] : memref<16x2x16x1024xf32, #tpu.memory_space<vmem_shared>> -> memref<1x1x16x1024xf32, #tpu.memory_space<vmem_shared>>
    %dma_start3A_276 = tpu.memref_squeeze %dma_start3A_275 : memref<1x1x16x1024xf32, #tpu.memory_space<vmem_shared>> -> memref<16x1024xf32, #tpu.memory_space<vmem_shared>>
    tpu.enqueue_dma source(%dma_start3A_276 : memref<16x1024xf32, #tpu.memory_space<vmem_shared>>) target(%dma_start3A_272 : memref<16x1024xf32, #tpu.memory_space<hbm>>) target_semaphore(%arg10 : memref<!tpu.dma_semaphore, #tpu.memory_space<semaphore_mem>>)
    %dma_wait3A_277 = arith.constant 3 : i32
    %dma_wait3A_278 = arith.constant 0 : i32
    %dma_wait3A_279 = arith.constant 0 : i32
    %dma_wait3A_280 = tpu.memref_slice %arg6[%dma_wait3A_277, %dma_wait3A_278, %dma_wait3A_279] : memref<4x16x1024xf32, #tpu.memory_space<vmem>> -> memref<1x16x1024xf32, #tpu.memory_space<vmem>>
    %dma_wait3A_281 = tpu.memref_squeeze %dma_wait3A_280 : memref<1x16x1024xf32, #tpu.memory_space<vmem>> -> memref<16x1024xf32, #tpu.memory_space<vmem>>
    %dma_wait3A_282 = arith.constant 48 : i32
    %dma_wait3A_283 = tpu.memref_slice %arg5[%dma_wait3A_282] : memref<256xi32, #tpu.memory_space<vmem>> -> memref<16xi32, #tpu.memory_space<vmem>>
    %dma_wait3A_284 = arith.constant 0 : i32
    %dma_wait3A_285 = arith.constant 0 : i32
    %dma_wait3A_286 = tpu.memref_slice %arg3[%dma_wait3A_284, %dma_wait3A_285] : memref<100000x1024xf32, #tpu.memory_space<hbm>> -> memref<100000x1024xf32, #tpu.memory_space<hbm>>
    tpu.wait_indirect_dma semaphore(%arg8 : memref<!tpu.dma_semaphore, #tpu.memory_space<semaphore_mem>>) src(%dma_wait3A_286 : memref<100000x1024xf32, #tpu.memory_space<hbm>>) dst(%dma_wait3A_281 : memref<16x1024xf32, #tpu.memory_space<vmem>>)
    %add3A_287 = arith.constant 16 : i32
    %add3A_288 = arith.addi %mul3A_2, %add3A_287 : i32
    %dma_wait3A_289 = arith.constant 1 : i32
    %dma_wait3A_290 = arith.constant 0 : i32
    %dma_wait3A_291 = tpu.memref_slice %arg4[%add3A_288, %dma_wait3A_290] : memref<8192x1024xf32, #tpu.memory_space<hbm>> -> memref<16x1024xf32, #tpu.memory_space<hbm>>
    %dma_wait3A_292 = arith.constant 0 : i32
    %dma_wait3A_293 = arith.constant 0 : i32
    %dma_wait3A_294 = tpu.memref_slice %arg7[%arg1, %dma_wait3A_289, %dma_wait3A_292, %dma_wait3A_293] : memref<16x2x16x1024xf32, #tpu.memory_space<vmem_shared>> -> memref<1x1x16x1024xf32, #tpu.memory_space<vmem_shared>>
    %dma_wait3A_295 = tpu.memref_squeeze %dma_wait3A_294 : memref<1x1x16x1024xf32, #tpu.memory_space<vmem_shared>> -> memref<16x1024xf32, #tpu.memory_space<vmem_shared>>
    tpu.wait_dma2 semaphore(%arg10 : memref<!tpu.dma_semaphore, #tpu.memory_space<semaphore_mem>>) src(%dma_wait3A_295 : memref<16x1024xf32, #tpu.memory_space<vmem_shared>>) dst(%dma_wait3A_291 : memref<16x1024xf32, #tpu.memory_space<hbm>>)
    %dma_start3A_296 = arith.constant 3 : i32
    %dma_start3A_297 = arith.constant 1 : i32
    %dma_start3A_298 = arith.constant 0 : i32
    %dma_start3A_299 = arith.constant 0 : i32
    %dma_start3A_300 = tpu.memref_slice %arg6[%dma_start3A_296, %dma_start3A_298, %dma_start3A_299] : memref<4x16x1024xf32, #tpu.memory_space<vmem>> -> memref<1x16x1024xf32, #tpu.memory_space<vmem>>
    %dma_start3A_301 = tpu.memref_squeeze %dma_start3A_300 : memref<1x16x1024xf32, #tpu.memory_space<vmem>> -> memref<16x1024xf32, #tpu.memory_space<vmem>>
    %dma_start3A_302 = arith.constant 0 : i32
    %dma_start3A_303 = arith.constant 0 : i32
    %dma_start3A_304 = tpu.memref_slice %arg7[%arg1, %dma_start3A_297, %dma_start3A_302, %dma_start3A_303] : memref<16x2x16x1024xf32, #tpu.memory_space<vmem_shared>> -> memref<1x1x16x1024xf32, #tpu.memory_space<vmem_shared>>
    %dma_start3A_305 = tpu.memref_squeeze %dma_start3A_304 : memref<1x1x16x1024xf32, #tpu.memory_space<vmem_shared>> -> memref<16x1024xf32, #tpu.memory_space<vmem_shared>>
    %dma_start3A_306 = arith.constant 0 : i32
    %dma_start3A_307 = arith.constant 0 : i32
    %dma_start3A_308 = tpu.memref_slice %arg7[%arg1, %dma_start3A_297, %dma_start3A_306, %dma_start3A_307] : memref<16x2x16x1024xf32, #tpu.memory_space<vmem_shared>> -> memref<1x1x16x1024xf32, #tpu.memory_space<vmem_shared>>
    %dma_start3A_309 = tpu.memref_squeeze %dma_start3A_308 : memref<1x1x16x1024xf32, #tpu.memory_space<vmem_shared>> -> memref<16x1024xf32, #tpu.memory_space<vmem_shared>>
    %dma_start3A_310 = arith.constant 0 : i32
    %dma_start3A_311 = arith.constant 0 : i32
    %dma_start3A_312 = tpu.memref_slice %arg6[%dma_start3A_296, %dma_start3A_310, %dma_start3A_311] : memref<4x16x1024xf32, #tpu.memory_space<vmem>> -> memref<1x16x1024xf32, #tpu.memory_space<vmem>>
    %dma_start3A_313 = tpu.memref_squeeze %dma_start3A_312 : memref<1x16x1024xf32, #tpu.memory_space<vmem>> -> memref<16x1024xf32, #tpu.memory_space<vmem>>
    tpu.enqueue_dma source(%dma_start3A_313 : memref<16x1024xf32, #tpu.memory_space<vmem>>) target(%dma_start3A_309 : memref<16x1024xf32, #tpu.memory_space<vmem_shared>>) target_semaphore(%arg9 : memref<!tpu.dma_semaphore, #tpu.memory_space<semaphore_mem>>)
    %dma_wait3A_314 = arith.constant 3 : i32
    %dma_wait3A_315 = arith.constant 1 : i32
    %dma_wait3A_316 = arith.constant 0 : i32
    %dma_wait3A_317 = arith.constant 0 : i32
    %dma_wait3A_318 = tpu.memref_slice %arg6[%dma_wait3A_314, %dma_wait3A_316, %dma_wait3A_317] : memref<4x16x1024xf32, #tpu.memory_space<vmem>> -> memref<1x16x1024xf32, #tpu.memory_space<vmem>>
    %dma_wait3A_319 = tpu.memref_squeeze %dma_wait3A_318 : memref<1x16x1024xf32, #tpu.memory_space<vmem>> -> memref<16x1024xf32, #tpu.memory_space<vmem>>
    %dma_wait3A_320 = arith.constant 0 : i32
    %dma_wait3A_321 = arith.constant 0 : i32
    %dma_wait3A_322 = tpu.memref_slice %arg7[%arg1, %dma_wait3A_315, %dma_wait3A_320, %dma_wait3A_321] : memref<16x2x16x1024xf32, #tpu.memory_space<vmem_shared>> -> memref<1x1x16x1024xf32, #tpu.memory_space<vmem_shared>>
    %dma_wait3A_323 = tpu.memref_squeeze %dma_wait3A_322 : memref<1x1x16x1024xf32, #tpu.memory_space<vmem_shared>> -> memref<16x1024xf32, #tpu.memory_space<vmem_shared>>
    %dma_wait3A_324 = arith.constant 0 : i32
    %dma_wait3A_325 = arith.constant 0 : i32
    %dma_wait3A_326 = tpu.memref_slice %arg7[%arg1, %dma_wait3A_315, %dma_wait3A_324, %dma_wait3A_325] : memref<16x2x16x1024xf32, #tpu.memory_space<vmem_shared>> -> memref<1x1x16x1024xf32, #tpu.memory_space<vmem_shared>>
    %dma_wait3A_327 = tpu.memref_squeeze %dma_wait3A_326 : memref<1x1x16x1024xf32, #tpu.memory_space<vmem_shared>> -> memref<16x1024xf32, #tpu.memory_space<vmem_shared>>
    %dma_wait3A_328 = arith.constant 0 : i32
    %dma_wait3A_329 = arith.constant 0 : i32
    %dma_wait3A_330 = tpu.memref_slice %arg6[%dma_wait3A_314, %dma_wait3A_328, %dma_wait3A_329] : memref<4x16x1024xf32, #tpu.memory_space<vmem>> -> memref<1x16x1024xf32, #tpu.memory_space<vmem>>
    %dma_wait3A_331 = tpu.memref_squeeze %dma_wait3A_330 : memref<1x16x1024xf32, #tpu.memory_space<vmem>> -> memref<16x1024xf32, #tpu.memory_space<vmem>>
    tpu.wait_dma2 semaphore(%arg9 : memref<!tpu.dma_semaphore, #tpu.memory_space<semaphore_mem>>) src(%dma_wait3A_331 : memref<16x1024xf32, #tpu.memory_space<vmem>>) dst(%dma_wait3A_327 : memref<16x1024xf32, #tpu.memory_space<vmem_shared>>)
    %dma_start3A_332 = arith.constant 3 : i32
    %dma_start3A_333 = arith.constant 0 : i32
    %dma_start3A_334 = arith.constant 0 : i32
    %dma_start3A_335 = tpu.memref_slice %arg6[%dma_start3A_332, %dma_start3A_333, %dma_start3A_334] : memref<4x16x1024xf32, #tpu.memory_space<vmem>> -> memref<1x16x1024xf32, #tpu.memory_space<vmem>>
    %dma_start3A_336 = tpu.memref_squeeze %dma_start3A_335 : memref<1x16x1024xf32, #tpu.memory_space<vmem>> -> memref<16x1024xf32, #tpu.memory_space<vmem>>
    %dma_start3A_337 = arith.constant 112 : i32
    %dma_start3A_338 = tpu.memref_slice %arg5[%dma_start3A_337] : memref<256xi32, #tpu.memory_space<vmem>> -> memref<16xi32, #tpu.memory_space<vmem>>
    %dma_start3A_339 = arith.constant 0 : i32
    %dma_start3A_340 = arith.constant 0 : i32
    %dma_start3A_341 = tpu.memref_slice %arg3[%dma_start3A_339, %dma_start3A_340] : memref<100000x1024xf32, #tpu.memory_space<hbm>> -> memref<100000x1024xf32, #tpu.memory_space<hbm>>
    tpu.enqueue_indirect_dma source(%dma_start3A_341 : memref<100000x1024xf32, #tpu.memory_space<hbm>>) target(%dma_start3A_336 : memref<16x1024xf32, #tpu.memory_space<vmem>>) offsets(%dma_start3A_338 : memref<16xi32, #tpu.memory_space<vmem>>) semaphore(%arg8 : memref<!tpu.dma_semaphore, #tpu.memory_space<semaphore_mem>>)
    %add3A_342 = arith.constant 48 : i32
    %add3A_343 = arith.addi %mul3A_2, %add3A_342 : i32
    %dma_start3A_344 = arith.constant 1 : i32
    %dma_start3A_345 = arith.constant 0 : i32
    %dma_start3A_346 = tpu.memref_slice %arg4[%add3A_343, %dma_start3A_345] : memref<8192x1024xf32, #tpu.memory_space<hbm>> -> memref<16x1024xf32, #tpu.memory_space<hbm>>
    %dma_start3A_347 = arith.constant 0 : i32
    %dma_start3A_348 = arith.constant 0 : i32
    %dma_start3A_349 = tpu.memref_slice %arg7[%arg1, %dma_start3A_344, %dma_start3A_347, %dma_start3A_348] : memref<16x2x16x1024xf32, #tpu.memory_space<vmem_shared>> -> memref<1x1x16x1024xf32, #tpu.memory_space<vmem_shared>>
    %dma_start3A_350 = tpu.memref_squeeze %dma_start3A_349 : memref<1x1x16x1024xf32, #tpu.memory_space<vmem_shared>> -> memref<16x1024xf32, #tpu.memory_space<vmem_shared>>
    tpu.enqueue_dma source(%dma_start3A_350 : memref<16x1024xf32, #tpu.memory_space<vmem_shared>>) target(%dma_start3A_346 : memref<16x1024xf32, #tpu.memory_space<hbm>>) target_semaphore(%arg10 : memref<!tpu.dma_semaphore, #tpu.memory_space<semaphore_mem>>)
    %scan3A = arith.constant 0 : i32
    %scan3A_351 = arith.constant 1 : i32
    %scan3A_352 = arith.constant 2 : i32
    %scan3A_353 = arith.addi %scan3A_351, %scan3A_352 : i32
    %scan3A_354 = arith.constant 1 : i32
    %scan3A_355 = scf.for %scan3A_631 = %scan3A_351 to %scan3A_353 step %scan3A_354 iter_args(%scan3A_632 = %scan3A) -> (i32)  : i32 {
      %mul3A_633 = arith.constant 4 : i32
      %mul3A_634 = arith.muli %mul3A_633, %scan3A_631 : i32
      %add3A_635 = arith.constant 0 : i32
      %add3A_636 = arith.addi %mul3A_634, %add3A_635 : i32
      %mul3A_637 = arith.constant 16 : i32
      %mul3A_638 = arith.muli %add3A_636, %mul3A_637 : i32
      %dma_wait3A_639 = arith.constant 0 : i32
      %dma_wait3A_640 = arith.constant 0 : i32
      %dma_wait3A_641 = arith.constant 0 : i32
      %dma_wait3A_642 = tpu.memref_slice %arg6[%dma_wait3A_639, %dma_wait3A_640, %dma_wait3A_641] : memref<4x16x1024xf32, #tpu.memory_space<vmem>> -> memref<1x16x1024xf32, #tpu.memory_space<vmem>>
      %dma_wait3A_643 = tpu.memref_squeeze %dma_wait3A_642 : memref<1x16x1024xf32, #tpu.memory_space<vmem>> -> memref<16x1024xf32, #tpu.memory_space<vmem>>
      %dma_wait3A_644 = tpu.memref_slice %arg5[%mul3A_638] : memref<256xi32, #tpu.memory_space<vmem>> -> memref<16xi32, #tpu.memory_space<vmem>>
      %dma_wait3A_645 = arith.constant 0 : i32
      %dma_wait3A_646 = arith.constant 0 : i32
      %dma_wait3A_647 = tpu.memref_slice %arg3[%dma_wait3A_645, %dma_wait3A_646] : memref<100000x1024xf32, #tpu.memory_space<hbm>> -> memref<100000x1024xf32, #tpu.memory_space<hbm>>
      tpu.wait_indirect_dma semaphore(%arg8 : memref<!tpu.dma_semaphore, #tpu.memory_space<semaphore_mem>>) src(%dma_wait3A_647 : memref<100000x1024xf32, #tpu.memory_space<hbm>>) dst(%dma_wait3A_643 : memref<16x1024xf32, #tpu.memory_space<vmem>>)
      %sub3A_648 = arith.constant 2 : i32
      %sub3A_649 = arith.subi %add3A_636, %sub3A_648 : i32
      %mul3A_650 = arith.constant 16 : i32
      %mul3A_651 = arith.muli %sub3A_649, %mul3A_650 : i32
      %add3A_652 = arith.addi %mul3A_2, %mul3A_651 : i32
      %dma_wait3A_653 = arith.constant 0 : i32
      %dma_wait3A_654 = arith.constant 0 : i32
      %dma_wait3A_655 = tpu.memref_slice %arg4[%add3A_652, %dma_wait3A_654] : memref<8192x1024xf32, #tpu.memory_space<hbm>> -> memref<16x1024xf32, #tpu.memory_space<hbm>>
      %dma_wait3A_656 = arith.constant 0 : i32
      %dma_wait3A_657 = arith.constant 0 : i32
      %dma_wait3A_658 = tpu.memref_slice %arg7[%arg1, %dma_wait3A_653, %dma_wait3A_656, %dma_wait3A_657] : memref<16x2x16x1024xf32, #tpu.memory_space<vmem_shared>> -> memref<1x1x16x1024xf32, #tpu.memory_space<vmem_shared>>
      %dma_wait3A_659 = tpu.memref_squeeze %dma_wait3A_658 : memref<1x1x16x1024xf32, #tpu.memory_space<vmem_shared>> -> memref<16x1024xf32, #tpu.memory_space<vmem_shared>>
      tpu.wait_dma2 semaphore(%arg10 : memref<!tpu.dma_semaphore, #tpu.memory_space<semaphore_mem>>) src(%dma_wait3A_659 : memref<16x1024xf32, #tpu.memory_space<vmem_shared>>) dst(%dma_wait3A_655 : memref<16x1024xf32, #tpu.memory_space<hbm>>)
      %dma_start3A_660 = arith.constant 0 : i32
      %dma_start3A_661 = arith.constant 0 : i32
      %dma_start3A_662 = arith.constant 0 : i32
      %dma_start3A_663 = arith.constant 0 : i32
      %dma_start3A_664 = tpu.memref_slice %arg6[%dma_start3A_660, %dma_start3A_662, %dma_start3A_663] : memref<4x16x1024xf32, #tpu.memory_space<vmem>> -> memref<1x16x1024xf32, #tpu.memory_space<vmem>>
      %dma_start3A_665 = tpu.memref_squeeze %dma_start3A_664 : memref<1x16x1024xf32, #tpu.memory_space<vmem>> -> memref<16x1024xf32, #tpu.memory_space<vmem>>
      %dma_start3A_666 = arith.constant 0 : i32
      %dma_start3A_667 = arith.constant 0 : i32
      %dma_start3A_668 = tpu.memref_slice %arg7[%arg1, %dma_start3A_661, %dma_start3A_666, %dma_start3A_667] : memref<16x2x16x1024xf32, #tpu.memory_space<vmem_shared>> -> memref<1x1x16x1024xf32, #tpu.memory_space<vmem_shared>>
      %dma_start3A_669 = tpu.memref_squeeze %dma_start3A_668 : memref<1x1x16x1024xf32, #tpu.memory_space<vmem_shared>> -> memref<16x1024xf32, #tpu.memory_space<vmem_shared>>
      %dma_start3A_670 = arith.constant 0 : i32
      %dma_start3A_671 = arith.constant 0 : i32
      %dma_start3A_672 = tpu.memref_slice %arg7[%arg1, %dma_start3A_661, %dma_start3A_670, %dma_start3A_671] : memref<16x2x16x1024xf32, #tpu.memory_space<vmem_shared>> -> memref<1x1x16x1024xf32, #tpu.memory_space<vmem_shared>>
      %dma_start3A_673 = tpu.memref_squeeze %dma_start3A_672 : memref<1x1x16x1024xf32, #tpu.memory_space<vmem_shared>> -> memref<16x1024xf32, #tpu.memory_space<vmem_shared>>
      %dma_start3A_674 = arith.constant 0 : i32
      %dma_start3A_675 = arith.constant 0 : i32
      %dma_start3A_676 = tpu.memref_slice %arg6[%dma_start3A_660, %dma_start3A_674, %dma_start3A_675] : memref<4x16x1024xf32, #tpu.memory_space<vmem>> -> memref<1x16x1024xf32, #tpu.memory_space<vmem>>
      %dma_start3A_677 = tpu.memref_squeeze %dma_start3A_676 : memref<1x16x1024xf32, #tpu.memory_space<vmem>> -> memref<16x1024xf32, #tpu.memory_space<vmem>>
      tpu.enqueue_dma source(%dma_start3A_677 : memref<16x1024xf32, #tpu.memory_space<vmem>>) target(%dma_start3A_673 : memref<16x1024xf32, #tpu.memory_space<vmem_shared>>) target_semaphore(%arg9 : memref<!tpu.dma_semaphore, #tpu.memory_space<semaphore_mem>>)
      %dma_wait3A_678 = arith.constant 0 : i32
      %dma_wait3A_679 = arith.constant 0 : i32
      %dma_wait3A_680 = arith.constant 0 : i32
      %dma_wait3A_681 = arith.constant 0 : i32
      %dma_wait3A_682 = tpu.memref_slice %arg6[%dma_wait3A_678, %dma_wait3A_680, %dma_wait3A_681] : memref<4x16x1024xf32, #tpu.memory_space<vmem>> -> memref<1x16x1024xf32, #tpu.memory_space<vmem>>
      %dma_wait3A_683 = tpu.memref_squeeze %dma_wait3A_682 : memref<1x16x1024xf32, #tpu.memory_space<vmem>> -> memref<16x1024xf32, #tpu.memory_space<vmem>>
      %dma_wait3A_684 = arith.constant 0 : i32
      %dma_wait3A_685 = arith.constant 0 : i32
      %dma_wait3A_686 = tpu.memref_slice %arg7[%arg1, %dma_wait3A_679, %dma_wait3A_684, %dma_wait3A_685] : memref<16x2x16x1024xf32, #tpu.memory_space<vmem_shared>> -> memref<1x1x16x1024xf32, #tpu.memory_space<vmem_shared>>
      %dma_wait3A_687 = tpu.memref_squeeze %dma_wait3A_686 : memref<1x1x16x1024xf32, #tpu.memory_space<vmem_shared>> -> memref<16x1024xf32, #tpu.memory_space<vmem_shared>>
      %dma_wait3A_688 = arith.constant 0 : i32
      %dma_wait3A_689 = arith.constant 0 : i32
      %dma_wait3A_690 = tpu.memref_slice %arg7[%arg1, %dma_wait3A_679, %dma_wait3A_688, %dma_wait3A_689] : memref<16x2x16x1024xf32, #tpu.memory_space<vmem_shared>> -> memref<1x1x16x1024xf32, #tpu.memory_space<vmem_shared>>
      %dma_wait3A_691 = tpu.memref_squeeze %dma_wait3A_690 : memref<1x1x16x1024xf32, #tpu.memory_space<vmem_shared>> -> memref<16x1024xf32, #tpu.memory_space<vmem_shared>>
      %dma_wait3A_692 = arith.constant 0 : i32
      %dma_wait3A_693 = arith.constant 0 : i32
      %dma_wait3A_694 = tpu.memref_slice %arg6[%dma_wait3A_678, %dma_wait3A_692, %dma_wait3A_693] : memref<4x16x1024xf32, #tpu.memory_space<vmem>> -> memref<1x16x1024xf32, #tpu.memory_space<vmem>>
      %dma_wait3A_695 = tpu.memref_squeeze %dma_wait3A_694 : memref<1x16x1024xf32, #tpu.memory_space<vmem>> -> memref<16x1024xf32, #tpu.memory_space<vmem>>
      tpu.wait_dma2 semaphore(%arg9 : memref<!tpu.dma_semaphore, #tpu.memory_space<semaphore_mem>>) src(%dma_wait3A_695 : memref<16x1024xf32, #tpu.memory_space<vmem>>) dst(%dma_wait3A_691 : memref<16x1024xf32, #tpu.memory_space<vmem_shared>>)
      %add3A_696 = arith.constant 4 : i32
      %add3A_697 = arith.addi %add3A_636, %add3A_696 : i32
      %mul3A_698 = arith.constant 16 : i32
      %mul3A_699 = arith.muli %add3A_697, %mul3A_698 : i32
      %dma_start3A_700 = arith.constant 0 : i32
      %dma_start3A_701 = arith.constant 0 : i32
      %dma_start3A_702 = arith.constant 0 : i32
      %dma_start3A_703 = tpu.memref_slice %arg6[%dma_start3A_700, %dma_start3A_701, %dma_start3A_702] : memref<4x16x1024xf32, #tpu.memory_space<vmem>> -> memref<1x16x1024xf32, #tpu.memory_space<vmem>>
      %dma_start3A_704 = tpu.memref_squeeze %dma_start3A_703 : memref<1x16x1024xf32, #tpu.memory_space<vmem>> -> memref<16x1024xf32, #tpu.memory_space<vmem>>
      %dma_start3A_705 = tpu.memref_slice %arg5[%mul3A_699] : memref<256xi32, #tpu.memory_space<vmem>> -> memref<16xi32, #tpu.memory_space<vmem>>
      %dma_start3A_706 = arith.constant 0 : i32
      %dma_start3A_707 = arith.constant 0 : i32
      %dma_start3A_708 = tpu.memref_slice %arg3[%dma_start3A_706, %dma_start3A_707] : memref<100000x1024xf32, #tpu.memory_space<hbm>> -> memref<100000x1024xf32, #tpu.memory_space<hbm>>
      tpu.enqueue_indirect_dma source(%dma_start3A_708 : memref<100000x1024xf32, #tpu.memory_space<hbm>>) target(%dma_start3A_704 : memref<16x1024xf32, #tpu.memory_space<vmem>>) offsets(%dma_start3A_705 : memref<16xi32, #tpu.memory_space<vmem>>) semaphore(%arg8 : memref<!tpu.dma_semaphore, #tpu.memory_space<semaphore_mem>>)
      %mul3A_709 = arith.constant 16 : i32
      %mul3A_710 = arith.muli %add3A_636, %mul3A_709 : i32
      %add3A_711 = arith.addi %mul3A_2, %mul3A_710 : i32
      %dma_start3A_712 = arith.constant 0 : i32
      %dma_start3A_713 = arith.constant 0 : i32
      %dma_start3A_714 = tpu.memref_slice %arg4[%add3A_711, %dma_start3A_713] : memref<8192x1024xf32, #tpu.memory_space<hbm>> -> memref<16x1024xf32, #tpu.memory_space<hbm>>
      %dma_start3A_715 = arith.constant 0 : i32
      %dma_start3A_716 = arith.constant 0 : i32
      %dma_start3A_717 = tpu.memref_slice %arg7[%arg1, %dma_start3A_712, %dma_start3A_715, %dma_start3A_716] : memref<16x2x16x1024xf32, #tpu.memory_space<vmem_shared>> -> memref<1x1x16x1024xf32, #tpu.memory_space<vmem_shared>>
      %dma_start3A_718 = tpu.memref_squeeze %dma_start3A_717 : memref<1x1x16x1024xf32, #tpu.memory_space<vmem_shared>> -> memref<16x1024xf32, #tpu.memory_space<vmem_shared>>
      tpu.enqueue_dma source(%dma_start3A_718 : memref<16x1024xf32, #tpu.memory_space<vmem_shared>>) target(%dma_start3A_714 : memref<16x1024xf32, #tpu.memory_space<hbm>>) target_semaphore(%arg10 : memref<!tpu.dma_semaphore, #tpu.memory_space<semaphore_mem>>)
      %mul3A_719 = arith.constant 4 : i32
      %mul3A_720 = arith.muli %mul3A_719, %scan3A_631 : i32
      %add3A_721 = arith.constant 1 : i32
      %add3A_722 = arith.addi %mul3A_720, %add3A_721 : i32
      %mul3A_723 = arith.constant 16 : i32
      %mul3A_724 = arith.muli %add3A_722, %mul3A_723 : i32
      %dma_wait3A_725 = arith.constant 1 : i32
      %dma_wait3A_726 = arith.constant 0 : i32
      %dma_wait3A_727 = arith.constant 0 : i32
      %dma_wait3A_728 = tpu.memref_slice %arg6[%dma_wait3A_725, %dma_wait3A_726, %dma_wait3A_727] : memref<4x16x1024xf32, #tpu.memory_space<vmem>> -> memref<1x16x1024xf32, #tpu.memory_space<vmem>>
      %dma_wait3A_729 = tpu.memref_squeeze %dma_wait3A_728 : memref<1x16x1024xf32, #tpu.memory_space<vmem>> -> memref<16x1024xf32, #tpu.memory_space<vmem>>
      %dma_wait3A_730 = tpu.memref_slice %arg5[%mul3A_724] : memref<256xi32, #tpu.memory_space<vmem>> -> memref<16xi32, #tpu.memory_space<vmem>>
      %dma_wait3A_731 = arith.constant 0 : i32
      %dma_wait3A_732 = arith.constant 0 : i32
      %dma_wait3A_733 = tpu.memref_slice %arg3[%dma_wait3A_731, %dma_wait3A_732] : memref<100000x1024xf32, #tpu.memory_space<hbm>> -> memref<100000x1024xf32, #tpu.memory_space<hbm>>
      tpu.wait_indirect_dma semaphore(%arg8 : memref<!tpu.dma_semaphore, #tpu.memory_space<semaphore_mem>>) src(%dma_wait3A_733 : memref<100000x1024xf32, #tpu.memory_space<hbm>>) dst(%dma_wait3A_729 : memref<16x1024xf32, #tpu.memory_space<vmem>>)
      %sub3A_734 = arith.constant 2 : i32
      %sub3A_735 = arith.subi %add3A_722, %sub3A_734 : i32
      %mul3A_736 = arith.constant 16 : i32
      %mul3A_737 = arith.muli %sub3A_735, %mul3A_736 : i32
      %add3A_738 = arith.addi %mul3A_2, %mul3A_737 : i32
      %dma_wait3A_739 = arith.constant 1 : i32
      %dma_wait3A_740 = arith.constant 0 : i32
      %dma_wait3A_741 = tpu.memref_slice %arg4[%add3A_738, %dma_wait3A_740] : memref<8192x1024xf32, #tpu.memory_space<hbm>> -> memref<16x1024xf32, #tpu.memory_space<hbm>>
      %dma_wait3A_742 = arith.constant 0 : i32
      %dma_wait3A_743 = arith.constant 0 : i32
      %dma_wait3A_744 = tpu.memref_slice %arg7[%arg1, %dma_wait3A_739, %dma_wait3A_742, %dma_wait3A_743] : memref<16x2x16x1024xf32, #tpu.memory_space<vmem_shared>> -> memref<1x1x16x1024xf32, #tpu.memory_space<vmem_shared>>
      %dma_wait3A_745 = tpu.memref_squeeze %dma_wait3A_744 : memref<1x1x16x1024xf32, #tpu.memory_space<vmem_shared>> -> memref<16x1024xf32, #tpu.memory_space<vmem_shared>>
      tpu.wait_dma2 semaphore(%arg10 : memref<!tpu.dma_semaphore, #tpu.memory_space<semaphore_mem>>) src(%dma_wait3A_745 : memref<16x1024xf32, #tpu.memory_space<vmem_shared>>) dst(%dma_wait3A_741 : memref<16x1024xf32, #tpu.memory_space<hbm>>)
      %dma_start3A_746 = arith.constant 1 : i32
      %dma_start3A_747 = arith.constant 1 : i32
      %dma_start3A_748 = arith.constant 0 : i32
      %dma_start3A_749 = arith.constant 0 : i32
      %dma_start3A_750 = tpu.memref_slice %arg6[%dma_start3A_746, %dma_start3A_748, %dma_start3A_749] : memref<4x16x1024xf32, #tpu.memory_space<vmem>> -> memref<1x16x1024xf32, #tpu.memory_space<vmem>>
      %dma_start3A_751 = tpu.memref_squeeze %dma_start3A_750 : memref<1x16x1024xf32, #tpu.memory_space<vmem>> -> memref<16x1024xf32, #tpu.memory_space<vmem>>
      %dma_start3A_752 = arith.constant 0 : i32
      %dma_start3A_753 = arith.constant 0 : i32
      %dma_start3A_754 = tpu.memref_slice %arg7[%arg1, %dma_start3A_747, %dma_start3A_752, %dma_start3A_753] : memref<16x2x16x1024xf32, #tpu.memory_space<vmem_shared>> -> memref<1x1x16x1024xf32, #tpu.memory_space<vmem_shared>>
      %dma_start3A_755 = tpu.memref_squeeze %dma_start3A_754 : memref<1x1x16x1024xf32, #tpu.memory_space<vmem_shared>> -> memref<16x1024xf32, #tpu.memory_space<vmem_shared>>
      %dma_start3A_756 = arith.constant 0 : i32
      %dma_start3A_757 = arith.constant 0 : i32
      %dma_start3A_758 = tpu.memref_slice %arg7[%arg1, %dma_start3A_747, %dma_start3A_756, %dma_start3A_757] : memref<16x2x16x1024xf32, #tpu.memory_space<vmem_shared>> -> memref<1x1x16x1024xf32, #tpu.memory_space<vmem_shared>>
      %dma_start3A_759 = tpu.memref_squeeze %dma_start3A_758 : memref<1x1x16x1024xf32, #tpu.memory_space<vmem_shared>> -> memref<16x1024xf32, #tpu.memory_space<vmem_shared>>
      %dma_start3A_760 = arith.constant 0 : i32
      %dma_start3A_761 = arith.constant 0 : i32
      %dma_start3A_762 = tpu.memref_slice %arg6[%dma_start3A_746, %dma_start3A_760, %dma_start3A_761] : memref<4x16x1024xf32, #tpu.memory_space<vmem>> -> memref<1x16x1024xf32, #tpu.memory_space<vmem>>
      %dma_start3A_763 = tpu.memref_squeeze %dma_start3A_762 : memref<1x16x1024xf32, #tpu.memory_space<vmem>> -> memref<16x1024xf32, #tpu.memory_space<vmem>>
      tpu.enqueue_dma source(%dma_start3A_763 : memref<16x1024xf32, #tpu.memory_space<vmem>>) target(%dma_start3A_759 : memref<16x1024xf32, #tpu.memory_space<vmem_shared>>) target_semaphore(%arg9 : memref<!tpu.dma_semaphore, #tpu.memory_space<semaphore_mem>>)
      %dma_wait3A_764 = arith.constant 1 : i32
      %dma_wait3A_765 = arith.constant 1 : i32
      %dma_wait3A_766 = arith.constant 0 : i32
      %dma_wait3A_767 = arith.constant 0 : i32
      %dma_wait3A_768 = tpu.memref_slice %arg6[%dma_wait3A_764, %dma_wait3A_766, %dma_wait3A_767] : memref<4x16x1024xf32, #tpu.memory_space<vmem>> -> memref<1x16x1024xf32, #tpu.memory_space<vmem>>
      %dma_wait3A_769 = tpu.memref_squeeze %dma_wait3A_768 : memref<1x16x1024xf32, #tpu.memory_space<vmem>> -> memref<16x1024xf32, #tpu.memory_space<vmem>>
      %dma_wait3A_770 = arith.constant 0 : i32
      %dma_wait3A_771 = arith.constant 0 : i32
      %dma_wait3A_772 = tpu.memref_slice %arg7[%arg1, %dma_wait3A_765, %dma_wait3A_770, %dma_wait3A_771] : memref<16x2x16x1024xf32, #tpu.memory_space<vmem_shared>> -> memref<1x1x16x1024xf32, #tpu.memory_space<vmem_shared>>
      %dma_wait3A_773 = tpu.memref_squeeze %dma_wait3A_772 : memref<1x1x16x1024xf32, #tpu.memory_space<vmem_shared>> -> memref<16x1024xf32, #tpu.memory_space<vmem_shared>>
      %dma_wait3A_774 = arith.constant 0 : i32
      %dma_wait3A_775 = arith.constant 0 : i32
      %dma_wait3A_776 = tpu.memref_slice %arg7[%arg1, %dma_wait3A_765, %dma_wait3A_774, %dma_wait3A_775] : memref<16x2x16x1024xf32, #tpu.memory_space<vmem_shared>> -> memref<1x1x16x1024xf32, #tpu.memory_space<vmem_shared>>
      %dma_wait3A_777 = tpu.memref_squeeze %dma_wait3A_776 : memref<1x1x16x1024xf32, #tpu.memory_space<vmem_shared>> -> memref<16x1024xf32, #tpu.memory_space<vmem_shared>>
      %dma_wait3A_778 = arith.constant 0 : i32
      %dma_wait3A_779 = arith.constant 0 : i32
      %dma_wait3A_780 = tpu.memref_slice %arg6[%dma_wait3A_764, %dma_wait3A_778, %dma_wait3A_779] : memref<4x16x1024xf32, #tpu.memory_space<vmem>> -> memref<1x16x1024xf32, #tpu.memory_space<vmem>>
      %dma_wait3A_781 = tpu.memref_squeeze %dma_wait3A_780 : memref<1x16x1024xf32, #tpu.memory_space<vmem>> -> memref<16x1024xf32, #tpu.memory_space<vmem>>
      tpu.wait_dma2 semaphore(%arg9 : memref<!tpu.dma_semaphore, #tpu.memory_space<semaphore_mem>>) src(%dma_wait3A_781 : memref<16x1024xf32, #tpu.memory_space<vmem>>) dst(%dma_wait3A_777 : memref<16x1024xf32, #tpu.memory_space<vmem_shared>>)
      %add3A_782 = arith.constant 4 : i32
      %add3A_783 = arith.addi %add3A_722, %add3A_782 : i32
      %mul3A_784 = arith.constant 16 : i32
      %mul3A_785 = arith.muli %add3A_783, %mul3A_784 : i32
      %dma_start3A_786 = arith.constant 1 : i32
      %dma_start3A_787 = arith.constant 0 : i32
      %dma_start3A_788 = arith.constant 0 : i32
      %dma_start3A_789 = tpu.memref_slice %arg6[%dma_start3A_786, %dma_start3A_787, %dma_start3A_788] : memref<4x16x1024xf32, #tpu.memory_space<vmem>> -> memref<1x16x1024xf32, #tpu.memory_space<vmem>>
      %dma_start3A_790 = tpu.memref_squeeze %dma_start3A_789 : memref<1x16x1024xf32, #tpu.memory_space<vmem>> -> memref<16x1024xf32, #tpu.memory_space<vmem>>
      %dma_start3A_791 = tpu.memref_slice %arg5[%mul3A_785] : memref<256xi32, #tpu.memory_space<vmem>> -> memref<16xi32, #tpu.memory_space<vmem>>
      %dma_start3A_792 = arith.constant 0 : i32
      %dma_start3A_793 = arith.constant 0 : i32
      %dma_start3A_794 = tpu.memref_slice %arg3[%dma_start3A_792, %dma_start3A_793] : memref<100000x1024xf32, #tpu.memory_space<hbm>> -> memref<100000x1024xf32, #tpu.memory_space<hbm>>
      tpu.enqueue_indirect_dma source(%dma_start3A_794 : memref<100000x1024xf32, #tpu.memory_space<hbm>>) target(%dma_start3A_790 : memref<16x1024xf32, #tpu.memory_space<vmem>>) offsets(%dma_start3A_791 : memref<16xi32, #tpu.memory_space<vmem>>) semaphore(%arg8 : memref<!tpu.dma_semaphore, #tpu.memory_space<semaphore_mem>>)
      %mul3A_795 = arith.constant 16 : i32
      %mul3A_796 = arith.muli %add3A_722, %mul3A_795 : i32
      %add3A_797 = arith.addi %mul3A_2, %mul3A_796 : i32
      %dma_start3A_798 = arith.constant 1 : i32
      %dma_start3A_799 = arith.constant 0 : i32
      %dma_start3A_800 = tpu.memref_slice %arg4[%add3A_797, %dma_start3A_799] : memref<8192x1024xf32, #tpu.memory_space<hbm>> -> memref<16x1024xf32, #tpu.memory_space<hbm>>
      %dma_start3A_801 = arith.constant 0 : i32
      %dma_start3A_802 = arith.constant 0 : i32
      %dma_start3A_803 = tpu.memref_slice %arg7[%arg1, %dma_start3A_798, %dma_start3A_801, %dma_start3A_802] : memref<16x2x16x1024xf32, #tpu.memory_space<vmem_shared>> -> memref<1x1x16x1024xf32, #tpu.memory_space<vmem_shared>>
      %dma_start3A_804 = tpu.memref_squeeze %dma_start3A_803 : memref<1x1x16x1024xf32, #tpu.memory_space<vmem_shared>> -> memref<16x1024xf32, #tpu.memory_space<vmem_shared>>
      tpu.enqueue_dma source(%dma_start3A_804 : memref<16x1024xf32, #tpu.memory_space<vmem_shared>>) target(%dma_start3A_800 : memref<16x1024xf32, #tpu.memory_space<hbm>>) target_semaphore(%arg10 : memref<!tpu.dma_semaphore, #tpu.memory_space<semaphore_mem>>)
      %mul3A_805 = arith.constant 4 : i32
      %mul3A_806 = arith.muli %mul3A_805, %scan3A_631 : i32
      %add3A_807 = arith.constant 2 : i32
      %add3A_808 = arith.addi %mul3A_806, %add3A_807 : i32
      %mul3A_809 = arith.constant 16 : i32
      %mul3A_810 = arith.muli %add3A_808, %mul3A_809 : i32
      %dma_wait3A_811 = arith.constant 2 : i32
      %dma_wait3A_812 = arith.constant 0 : i32
      %dma_wait3A_813 = arith.constant 0 : i32
      %dma_wait3A_814 = tpu.memref_slice %arg6[%dma_wait3A_811, %dma_wait3A_812, %dma_wait3A_813] : memref<4x16x1024xf32, #tpu.memory_space<vmem>> -> memref<1x16x1024xf32, #tpu.memory_space<vmem>>
      %dma_wait3A_815 = tpu.memref_squeeze %dma_wait3A_814 : memref<1x16x1024xf32, #tpu.memory_space<vmem>> -> memref<16x1024xf32, #tpu.memory_space<vmem>>
      %dma_wait3A_816 = tpu.memref_slice %arg5[%mul3A_810] : memref<256xi32, #tpu.memory_space<vmem>> -> memref<16xi32, #tpu.memory_space<vmem>>
      %dma_wait3A_817 = arith.constant 0 : i32
      %dma_wait3A_818 = arith.constant 0 : i32
      %dma_wait3A_819 = tpu.memref_slice %arg3[%dma_wait3A_817, %dma_wait3A_818] : memref<100000x1024xf32, #tpu.memory_space<hbm>> -> memref<100000x1024xf32, #tpu.memory_space<hbm>>
      tpu.wait_indirect_dma semaphore(%arg8 : memref<!tpu.dma_semaphore, #tpu.memory_space<semaphore_mem>>) src(%dma_wait3A_819 : memref<100000x1024xf32, #tpu.memory_space<hbm>>) dst(%dma_wait3A_815 : memref<16x1024xf32, #tpu.memory_space<vmem>>)
      %sub3A_820 = arith.constant 2 : i32
      %sub3A_821 = arith.subi %add3A_808, %sub3A_820 : i32
      %mul3A_822 = arith.constant 16 : i32
      %mul3A_823 = arith.muli %sub3A_821, %mul3A_822 : i32
      %add3A_824 = arith.addi %mul3A_2, %mul3A_823 : i32
      %dma_wait3A_825 = arith.constant 0 : i32
      %dma_wait3A_826 = arith.constant 0 : i32
      %dma_wait3A_827 = tpu.memref_slice %arg4[%add3A_824, %dma_wait3A_826] : memref<8192x1024xf32, #tpu.memory_space<hbm>> -> memref<16x1024xf32, #tpu.memory_space<hbm>>
      %dma_wait3A_828 = arith.constant 0 : i32
      %dma_wait3A_829 = arith.constant 0 : i32
      %dma_wait3A_830 = tpu.memref_slice %arg7[%arg1, %dma_wait3A_825, %dma_wait3A_828, %dma_wait3A_829] : memref<16x2x16x1024xf32, #tpu.memory_space<vmem_shared>> -> memref<1x1x16x1024xf32, #tpu.memory_space<vmem_shared>>
      %dma_wait3A_831 = tpu.memref_squeeze %dma_wait3A_830 : memref<1x1x16x1024xf32, #tpu.memory_space<vmem_shared>> -> memref<16x1024xf32, #tpu.memory_space<vmem_shared>>
      tpu.wait_dma2 semaphore(%arg10 : memref<!tpu.dma_semaphore, #tpu.memory_space<semaphore_mem>>) src(%dma_wait3A_831 : memref<16x1024xf32, #tpu.memory_space<vmem_shared>>) dst(%dma_wait3A_827 : memref<16x1024xf32, #tpu.memory_space<hbm>>)
      %dma_start3A_832 = arith.constant 2 : i32
      %dma_start3A_833 = arith.constant 0 : i32
      %dma_start3A_834 = arith.constant 0 : i32
      %dma_start3A_835 = arith.constant 0 : i32
      %dma_start3A_836 = tpu.memref_slice %arg6[%dma_start3A_832, %dma_start3A_834, %dma_start3A_835] : memref<4x16x1024xf32, #tpu.memory_space<vmem>> -> memref<1x16x1024xf32, #tpu.memory_space<vmem>>
      %dma_start3A_837 = tpu.memref_squeeze %dma_start3A_836 : memref<1x16x1024xf32, #tpu.memory_space<vmem>> -> memref<16x1024xf32, #tpu.memory_space<vmem>>
      %dma_start3A_838 = arith.constant 0 : i32
      %dma_start3A_839 = arith.constant 0 : i32
      %dma_start3A_840 = tpu.memref_slice %arg7[%arg1, %dma_start3A_833, %dma_start3A_838, %dma_start3A_839] : memref<16x2x16x1024xf32, #tpu.memory_space<vmem_shared>> -> memref<1x1x16x1024xf32, #tpu.memory_space<vmem_shared>>
      %dma_start3A_841 = tpu.memref_squeeze %dma_start3A_840 : memref<1x1x16x1024xf32, #tpu.memory_space<vmem_shared>> -> memref<16x1024xf32, #tpu.memory_space<vmem_shared>>
      %dma_start3A_842 = arith.constant 0 : i32
      %dma_start3A_843 = arith.constant 0 : i32
      %dma_start3A_844 = tpu.memref_slice %arg7[%arg1, %dma_start3A_833, %dma_start3A_842, %dma_start3A_843] : memref<16x2x16x1024xf32, #tpu.memory_space<vmem_shared>> -> memref<1x1x16x1024xf32, #tpu.memory_space<vmem_shared>>
      %dma_start3A_845 = tpu.memref_squeeze %dma_start3A_844 : memref<1x1x16x1024xf32, #tpu.memory_space<vmem_shared>> -> memref<16x1024xf32, #tpu.memory_space<vmem_shared>>
      %dma_start3A_846 = arith.constant 0 : i32
      %dma_start3A_847 = arith.constant 0 : i32
      %dma_start3A_848 = tpu.memref_slice %arg6[%dma_start3A_832, %dma_start3A_846, %dma_start3A_847] : memref<4x16x1024xf32, #tpu.memory_space<vmem>> -> memref<1x16x1024xf32, #tpu.memory_space<vmem>>
      %dma_start3A_849 = tpu.memref_squeeze %dma_start3A_848 : memref<1x16x1024xf32, #tpu.memory_space<vmem>> -> memref<16x1024xf32, #tpu.memory_space<vmem>>
      tpu.enqueue_dma source(%dma_start3A_849 : memref<16x1024xf32, #tpu.memory_space<vmem>>) target(%dma_start3A_845 : memref<16x1024xf32, #tpu.memory_space<vmem_shared>>) target_semaphore(%arg9 : memref<!tpu.dma_semaphore, #tpu.memory_space<semaphore_mem>>)
      %dma_wait3A_850 = arith.constant 2 : i32
      %dma_wait3A_851 = arith.constant 0 : i32
      %dma_wait3A_852 = arith.constant 0 : i32
      %dma_wait3A_853 = arith.constant 0 : i32
      %dma_wait3A_854 = tpu.memref_slice %arg6[%dma_wait3A_850, %dma_wait3A_852, %dma_wait3A_853] : memref<4x16x1024xf32, #tpu.memory_space<vmem>> -> memref<1x16x1024xf32, #tpu.memory_space<vmem>>
      %dma_wait3A_855 = tpu.memref_squeeze %dma_wait3A_854 : memref<1x16x1024xf32, #tpu.memory_space<vmem>> -> memref<16x1024xf32, #tpu.memory_space<vmem>>
      %dma_wait3A_856 = arith.constant 0 : i32
      %dma_wait3A_857 = arith.constant 0 : i32
      %dma_wait3A_858 = tpu.memref_slice %arg7[%arg1, %dma_wait3A_851, %dma_wait3A_856, %dma_wait3A_857] : memref<16x2x16x1024xf32, #tpu.memory_space<vmem_shared>> -> memref<1x1x16x1024xf32, #tpu.memory_space<vmem_shared>>
      %dma_wait3A_859 = tpu.memref_squeeze %dma_wait3A_858 : memref<1x1x16x1024xf32, #tpu.memory_space<vmem_shared>> -> memref<16x1024xf32, #tpu.memory_space<vmem_shared>>
      %dma_wait3A_860 = arith.constant 0 : i32
      %dma_wait3A_861 = arith.constant 0 : i32
      %dma_wait3A_862 = tpu.memref_slice %arg7[%arg1, %dma_wait3A_851, %dma_wait3A_860, %dma_wait3A_861] : memref<16x2x16x1024xf32, #tpu.memory_space<vmem_shared>> -> memref<1x1x16x1024xf32, #tpu.memory_space<vmem_shared>>
      %dma_wait3A_863 = tpu.memref_squeeze %dma_wait3A_862 : memref<1x1x16x1024xf32, #tpu.memory_space<vmem_shared>> -> memref<16x1024xf32, #tpu.memory_space<vmem_shared>>
      %dma_wait3A_864 = arith.constant 0 : i32
      %dma_wait3A_865 = arith.constant 0 : i32
      %dma_wait3A_866 = tpu.memref_slice %arg6[%dma_wait3A_850, %dma_wait3A_864, %dma_wait3A_865] : memref<4x16x1024xf32, #tpu.memory_space<vmem>> -> memref<1x16x1024xf32, #tpu.memory_space<vmem>>
      %dma_wait3A_867 = tpu.memref_squeeze %dma_wait3A_866 : memref<1x16x1024xf32, #tpu.memory_space<vmem>> -> memref<16x1024xf32, #tpu.memory_space<vmem>>
      tpu.wait_dma2 semaphore(%arg9 : memref<!tpu.dma_semaphore, #tpu.memory_space<semaphore_mem>>) src(%dma_wait3A_867 : memref<16x1024xf32, #tpu.memory_space<vmem>>) dst(%dma_wait3A_863 : memref<16x1024xf32, #tpu.memory_space<vmem_shared>>)
      %add3A_868 = arith.constant 4 : i32
      %add3A_869 = arith.addi %add3A_808, %add3A_868 : i32
      %mul3A_870 = arith.constant 16 : i32
      %mul3A_871 = arith.muli %add3A_869, %mul3A_870 : i32
      %dma_start3A_872 = arith.constant 2 : i32
      %dma_start3A_873 = arith.constant 0 : i32
      %dma_start3A_874 = arith.constant 0 : i32
      %dma_start3A_875 = tpu.memref_slice %arg6[%dma_start3A_872, %dma_start3A_873, %dma_start3A_874] : memref<4x16x1024xf32, #tpu.memory_space<vmem>> -> memref<1x16x1024xf32, #tpu.memory_space<vmem>>
      %dma_start3A_876 = tpu.memref_squeeze %dma_start3A_875 : memref<1x16x1024xf32, #tpu.memory_space<vmem>> -> memref<16x1024xf32, #tpu.memory_space<vmem>>
      %dma_start3A_877 = tpu.memref_slice %arg5[%mul3A_871] : memref<256xi32, #tpu.memory_space<vmem>> -> memref<16xi32, #tpu.memory_space<vmem>>
      %dma_start3A_878 = arith.constant 0 : i32
      %dma_start3A_879 = arith.constant 0 : i32
      %dma_start3A_880 = tpu.memref_slice %arg3[%dma_start3A_878, %dma_start3A_879] : memref<100000x1024xf32, #tpu.memory_space<hbm>> -> memref<100000x1024xf32, #tpu.memory_space<hbm>>
      tpu.enqueue_indirect_dma source(%dma_start3A_880 : memref<100000x1024xf32, #tpu.memory_space<hbm>>) target(%dma_start3A_876 : memref<16x1024xf32, #tpu.memory_space<vmem>>) offsets(%dma_start3A_877 : memref<16xi32, #tpu.memory_space<vmem>>) semaphore(%arg8 : memref<!tpu.dma_semaphore, #tpu.memory_space<semaphore_mem>>)
      %mul3A_881 = arith.constant 16 : i32
      %mul3A_882 = arith.muli %add3A_808, %mul3A_881 : i32
      %add3A_883 = arith.addi %mul3A_2, %mul3A_882 : i32
      %dma_start3A_884 = arith.constant 0 : i32
      %dma_start3A_885 = arith.constant 0 : i32
      %dma_start3A_886 = tpu.memref_slice %arg4[%add3A_883, %dma_start3A_885] : memref<8192x1024xf32, #tpu.memory_space<hbm>> -> memref<16x1024xf32, #tpu.memory_space<hbm>>
      %dma_start3A_887 = arith.constant 0 : i32
      %dma_start3A_888 = arith.constant 0 : i32
      %dma_start3A_889 = tpu.memref_slice %arg7[%arg1, %dma_start3A_884, %dma_start3A_887, %dma_start3A_888] : memref<16x2x16x1024xf32, #tpu.memory_space<vmem_shared>> -> memref<1x1x16x1024xf32, #tpu.memory_space<vmem_shared>>
      %dma_start3A_890 = tpu.memref_squeeze %dma_start3A_889 : memref<1x1x16x1024xf32, #tpu.memory_space<vmem_shared>> -> memref<16x1024xf32, #tpu.memory_space<vmem_shared>>
      tpu.enqueue_dma source(%dma_start3A_890 : memref<16x1024xf32, #tpu.memory_space<vmem_shared>>) target(%dma_start3A_886 : memref<16x1024xf32, #tpu.memory_space<hbm>>) target_semaphore(%arg10 : memref<!tpu.dma_semaphore, #tpu.memory_space<semaphore_mem>>)
      %mul3A_891 = arith.constant 4 : i32
      %mul3A_892 = arith.muli %mul3A_891, %scan3A_631 : i32
      %add3A_893 = arith.constant 3 : i32
      %add3A_894 = arith.addi %mul3A_892, %add3A_893 : i32
      %mul3A_895 = arith.constant 16 : i32
      %mul3A_896 = arith.muli %add3A_894, %mul3A_895 : i32
      %dma_wait3A_897 = arith.constant 3 : i32
      %dma_wait3A_898 = arith.constant 0 : i32
      %dma_wait3A_899 = arith.constant 0 : i32
      %dma_wait3A_900 = tpu.memref_slice %arg6[%dma_wait3A_897, %dma_wait3A_898, %dma_wait3A_899] : memref<4x16x1024xf32, #tpu.memory_space<vmem>> -> memref<1x16x1024xf32, #tpu.memory_space<vmem>>
      %dma_wait3A_901 = tpu.memref_squeeze %dma_wait3A_900 : memref<1x16x1024xf32, #tpu.memory_space<vmem>> -> memref<16x1024xf32, #tpu.memory_space<vmem>>
      %dma_wait3A_902 = tpu.memref_slice %arg5[%mul3A_896] : memref<256xi32, #tpu.memory_space<vmem>> -> memref<16xi32, #tpu.memory_space<vmem>>
      %dma_wait3A_903 = arith.constant 0 : i32
      %dma_wait3A_904 = arith.constant 0 : i32
      %dma_wait3A_905 = tpu.memref_slice %arg3[%dma_wait3A_903, %dma_wait3A_904] : memref<100000x1024xf32, #tpu.memory_space<hbm>> -> memref<100000x1024xf32, #tpu.memory_space<hbm>>
      tpu.wait_indirect_dma semaphore(%arg8 : memref<!tpu.dma_semaphore, #tpu.memory_space<semaphore_mem>>) src(%dma_wait3A_905 : memref<100000x1024xf32, #tpu.memory_space<hbm>>) dst(%dma_wait3A_901 : memref<16x1024xf32, #tpu.memory_space<vmem>>)
      %sub3A_906 = arith.constant 2 : i32
      %sub3A_907 = arith.subi %add3A_894, %sub3A_906 : i32
      %mul3A_908 = arith.constant 16 : i32
      %mul3A_909 = arith.muli %sub3A_907, %mul3A_908 : i32
      %add3A_910 = arith.addi %mul3A_2, %mul3A_909 : i32
      %dma_wait3A_911 = arith.constant 1 : i32
      %dma_wait3A_912 = arith.constant 0 : i32
      %dma_wait3A_913 = tpu.memref_slice %arg4[%add3A_910, %dma_wait3A_912] : memref<8192x1024xf32, #tpu.memory_space<hbm>> -> memref<16x1024xf32, #tpu.memory_space<hbm>>
      %dma_wait3A_914 = arith.constant 0 : i32
      %dma_wait3A_915 = arith.constant 0 : i32
      %dma_wait3A_916 = tpu.memref_slice %arg7[%arg1, %dma_wait3A_911, %dma_wait3A_914, %dma_wait3A_915] : memref<16x2x16x1024xf32, #tpu.memory_space<vmem_shared>> -> memref<1x1x16x1024xf32, #tpu.memory_space<vmem_shared>>
      %dma_wait3A_917 = tpu.memref_squeeze %dma_wait3A_916 : memref<1x1x16x1024xf32, #tpu.memory_space<vmem_shared>> -> memref<16x1024xf32, #tpu.memory_space<vmem_shared>>
      tpu.wait_dma2 semaphore(%arg10 : memref<!tpu.dma_semaphore, #tpu.memory_space<semaphore_mem>>) src(%dma_wait3A_917 : memref<16x1024xf32, #tpu.memory_space<vmem_shared>>) dst(%dma_wait3A_913 : memref<16x1024xf32, #tpu.memory_space<hbm>>)
      %dma_start3A_918 = arith.constant 3 : i32
      %dma_start3A_919 = arith.constant 1 : i32
      %dma_start3A_920 = arith.constant 0 : i32
      %dma_start3A_921 = arith.constant 0 : i32
      %dma_start3A_922 = tpu.memref_slice %arg6[%dma_start3A_918, %dma_start3A_920, %dma_start3A_921] : memref<4x16x1024xf32, #tpu.memory_space<vmem>> -> memref<1x16x1024xf32, #tpu.memory_space<vmem>>
      %dma_start3A_923 = tpu.memref_squeeze %dma_start3A_922 : memref<1x16x1024xf32, #tpu.memory_space<vmem>> -> memref<16x1024xf32, #tpu.memory_space<vmem>>
      %dma_start3A_924 = arith.constant 0 : i32
      %dma_start3A_925 = arith.constant 0 : i32
      %dma_start3A_926 = tpu.memref_slice %arg7[%arg1, %dma_start3A_919, %dma_start3A_924, %dma_start3A_925] : memref<16x2x16x1024xf32, #tpu.memory_space<vmem_shared>> -> memref<1x1x16x1024xf32, #tpu.memory_space<vmem_shared>>
      %dma_start3A_927 = tpu.memref_squeeze %dma_start3A_926 : memref<1x1x16x1024xf32, #tpu.memory_space<vmem_shared>> -> memref<16x1024xf32, #tpu.memory_space<vmem_shared>>
      %dma_start3A_928 = arith.constant 0 : i32
      %dma_start3A_929 = arith.constant 0 : i32
      %dma_start3A_930 = tpu.memref_slice %arg7[%arg1, %dma_start3A_919, %dma_start3A_928, %dma_start3A_929] : memref<16x2x16x1024xf32, #tpu.memory_space<vmem_shared>> -> memref<1x1x16x1024xf32, #tpu.memory_space<vmem_shared>>
      %dma_start3A_931 = tpu.memref_squeeze %dma_start3A_930 : memref<1x1x16x1024xf32, #tpu.memory_space<vmem_shared>> -> memref<16x1024xf32, #tpu.memory_space<vmem_shared>>
      %dma_start3A_932 = arith.constant 0 : i32
      %dma_start3A_933 = arith.constant 0 : i32
      %dma_start3A_934 = tpu.memref_slice %arg6[%dma_start3A_918, %dma_start3A_932, %dma_start3A_933] : memref<4x16x1024xf32, #tpu.memory_space<vmem>> -> memref<1x16x1024xf32, #tpu.memory_space<vmem>>
      %dma_start3A_935 = tpu.memref_squeeze %dma_start3A_934 : memref<1x16x1024xf32, #tpu.memory_space<vmem>> -> memref<16x1024xf32, #tpu.memory_space<vmem>>
      tpu.enqueue_dma source(%dma_start3A_935 : memref<16x1024xf32, #tpu.memory_space<vmem>>) target(%dma_start3A_931 : memref<16x1024xf32, #tpu.memory_space<vmem_shared>>) target_semaphore(%arg9 : memref<!tpu.dma_semaphore, #tpu.memory_space<semaphore_mem>>)
      %dma_wait3A_936 = arith.constant 3 : i32
      %dma_wait3A_937 = arith.constant 1 : i32
      %dma_wait3A_938 = arith.constant 0 : i32
      %dma_wait3A_939 = arith.constant 0 : i32
      %dma_wait3A_940 = tpu.memref_slice %arg6[%dma_wait3A_936, %dma_wait3A_938, %dma_wait3A_939] : memref<4x16x1024xf32, #tpu.memory_space<vmem>> -> memref<1x16x1024xf32, #tpu.memory_space<vmem>>
      %dma_wait3A_941 = tpu.memref_squeeze %dma_wait3A_940 : memref<1x16x1024xf32, #tpu.memory_space<vmem>> -> memref<16x1024xf32, #tpu.memory_space<vmem>>
      %dma_wait3A_942 = arith.constant 0 : i32
      %dma_wait3A_943 = arith.constant 0 : i32
      %dma_wait3A_944 = tpu.memref_slice %arg7[%arg1, %dma_wait3A_937, %dma_wait3A_942, %dma_wait3A_943] : memref<16x2x16x1024xf32, #tpu.memory_space<vmem_shared>> -> memref<1x1x16x1024xf32, #tpu.memory_space<vmem_shared>>
      %dma_wait3A_945 = tpu.memref_squeeze %dma_wait3A_944 : memref<1x1x16x1024xf32, #tpu.memory_space<vmem_shared>> -> memref<16x1024xf32, #tpu.memory_space<vmem_shared>>
      %dma_wait3A_946 = arith.constant 0 : i32
      %dma_wait3A_947 = arith.constant 0 : i32
      %dma_wait3A_948 = tpu.memref_slice %arg7[%arg1, %dma_wait3A_937, %dma_wait3A_946, %dma_wait3A_947] : memref<16x2x16x1024xf32, #tpu.memory_space<vmem_shared>> -> memref<1x1x16x1024xf32, #tpu.memory_space<vmem_shared>>
      %dma_wait3A_949 = tpu.memref_squeeze %dma_wait3A_948 : memref<1x1x16x1024xf32, #tpu.memory_space<vmem_shared>> -> memref<16x1024xf32, #tpu.memory_space<vmem_shared>>
      %dma_wait3A_950 = arith.constant 0 : i32
      %dma_wait3A_951 = arith.constant 0 : i32
      %dma_wait3A_952 = tpu.memref_slice %arg6[%dma_wait3A_936, %dma_wait3A_950, %dma_wait3A_951] : memref<4x16x1024xf32, #tpu.memory_space<vmem>> -> memref<1x16x1024xf32, #tpu.memory_space<vmem>>
      %dma_wait3A_953 = tpu.memref_squeeze %dma_wait3A_952 : memref<1x16x1024xf32, #tpu.memory_space<vmem>> -> memref<16x1024xf32, #tpu.memory_space<vmem>>
      tpu.wait_dma2 semaphore(%arg9 : memref<!tpu.dma_semaphore, #tpu.memory_space<semaphore_mem>>) src(%dma_wait3A_953 : memref<16x1024xf32, #tpu.memory_space<vmem>>) dst(%dma_wait3A_949 : memref<16x1024xf32, #tpu.memory_space<vmem_shared>>)
      %add3A_954 = arith.constant 4 : i32
      %add3A_955 = arith.addi %add3A_894, %add3A_954 : i32
      %mul3A_956 = arith.constant 16 : i32
      %mul3A_957 = arith.muli %add3A_955, %mul3A_956 : i32
      %dma_start3A_958 = arith.constant 3 : i32
      %dma_start3A_959 = arith.constant 0 : i32
      %dma_start3A_960 = arith.constant 0 : i32
      %dma_start3A_961 = tpu.memref_slice %arg6[%dma_start3A_958, %dma_start3A_959, %dma_start3A_960] : memref<4x16x1024xf32, #tpu.memory_space<vmem>> -> memref<1x16x1024xf32, #tpu.memory_space<vmem>>
      %dma_start3A_962 = tpu.memref_squeeze %dma_start3A_961 : memref<1x16x1024xf32, #tpu.memory_space<vmem>> -> memref<16x1024xf32, #tpu.memory_space<vmem>>
      %dma_start3A_963 = tpu.memref_slice %arg5[%mul3A_957] : memref<256xi32, #tpu.memory_space<vmem>> -> memref<16xi32, #tpu.memory_space<vmem>>
      %dma_start3A_964 = arith.constant 0 : i32
      %dma_start3A_965 = arith.constant 0 : i32
      %dma_start3A_966 = tpu.memref_slice %arg3[%dma_start3A_964, %dma_start3A_965] : memref<100000x1024xf32, #tpu.memory_space<hbm>> -> memref<100000x1024xf32, #tpu.memory_space<hbm>>
      tpu.enqueue_indirect_dma source(%dma_start3A_966 : memref<100000x1024xf32, #tpu.memory_space<hbm>>) target(%dma_start3A_962 : memref<16x1024xf32, #tpu.memory_space<vmem>>) offsets(%dma_start3A_963 : memref<16xi32, #tpu.memory_space<vmem>>) semaphore(%arg8 : memref<!tpu.dma_semaphore, #tpu.memory_space<semaphore_mem>>)
      %mul3A_967 = arith.constant 16 : i32
      %mul3A_968 = arith.muli %add3A_894, %mul3A_967 : i32
      %add3A_969 = arith.addi %mul3A_2, %mul3A_968 : i32
      %dma_start3A_970 = arith.constant 1 : i32
      %dma_start3A_971 = arith.constant 0 : i32
      %dma_start3A_972 = tpu.memref_slice %arg4[%add3A_969, %dma_start3A_971] : memref<8192x1024xf32, #tpu.memory_space<hbm>> -> memref<16x1024xf32, #tpu.memory_space<hbm>>
      %dma_start3A_973 = arith.constant 0 : i32
      %dma_start3A_974 = arith.constant 0 : i32
      %dma_start3A_975 = tpu.memref_slice %arg7[%arg1, %dma_start3A_970, %dma_start3A_973, %dma_start3A_974] : memref<16x2x16x1024xf32, #tpu.memory_space<vmem_shared>> -> memref<1x1x16x1024xf32, #tpu.memory_space<vmem_shared>>
      %dma_start3A_976 = tpu.memref_squeeze %dma_start3A_975 : memref<1x1x16x1024xf32, #tpu.memory_space<vmem_shared>> -> memref<16x1024xf32, #tpu.memory_space<vmem_shared>>
      tpu.enqueue_dma source(%dma_start3A_976 : memref<16x1024xf32, #tpu.memory_space<vmem_shared>>) target(%dma_start3A_972 : memref<16x1024xf32, #tpu.memory_space<hbm>>) target_semaphore(%arg10 : memref<!tpu.dma_semaphore, #tpu.memory_space<semaphore_mem>>)
      %scan3A_977 = arith.constant 0 : i32
      scf.yield %scan3A_977 : i32
    }
    %scan3A_356 = arith.constant 2 : i32
    %dma_wait3A_357 = arith.constant 0 : i32
    %dma_wait3A_358 = arith.constant 0 : i32
    %dma_wait3A_359 = arith.constant 0 : i32
    %dma_wait3A_360 = tpu.memref_slice %arg6[%dma_wait3A_357, %dma_wait3A_358, %dma_wait3A_359] : memref<4x16x1024xf32, #tpu.memory_space<vmem>> -> memref<1x16x1024xf32, #tpu.memory_space<vmem>>
    %dma_wait3A_361 = tpu.memref_squeeze %dma_wait3A_360 : memref<1x16x1024xf32, #tpu.memory_space<vmem>> -> memref<16x1024xf32, #tpu.memory_space<vmem>>
    %dma_wait3A_362 = arith.constant 192 : i32
    %dma_wait3A_363 = tpu.memref_slice %arg5[%dma_wait3A_362] : memref<256xi32, #tpu.memory_space<vmem>> -> memref<16xi32, #tpu.memory_space<vmem>>
    %dma_wait3A_364 = arith.constant 0 : i32
    %dma_wait3A_365 = arith.constant 0 : i32
    %dma_wait3A_366 = tpu.memref_slice %arg3[%dma_wait3A_364, %dma_wait3A_365] : memref<100000x1024xf32, #tpu.memory_space<hbm>> -> memref<100000x1024xf32, #tpu.memory_space<hbm>>
    tpu.wait_indirect_dma semaphore(%arg8 : memref<!tpu.dma_semaphore, #tpu.memory_space<semaphore_mem>>) src(%dma_wait3A_366 : memref<100000x1024xf32, #tpu.memory_space<hbm>>) dst(%dma_wait3A_361 : memref<16x1024xf32, #tpu.memory_space<vmem>>)
    %add3A_367 = arith.constant 160 : i32
    %add3A_368 = arith.addi %mul3A_2, %add3A_367 : i32
    %dma_wait3A_369 = arith.constant 0 : i32
    %dma_wait3A_370 = arith.constant 0 : i32
    %dma_wait3A_371 = tpu.memref_slice %arg4[%add3A_368, %dma_wait3A_370] : memref<8192x1024xf32, #tpu.memory_space<hbm>> -> memref<16x1024xf32, #tpu.memory_space<hbm>>
    %dma_wait3A_372 = arith.constant 0 : i32
    %dma_wait3A_373 = arith.constant 0 : i32
    %dma_wait3A_374 = tpu.memref_slice %arg7[%arg1, %dma_wait3A_369, %dma_wait3A_372, %dma_wait3A_373] : memref<16x2x16x1024xf32, #tpu.memory_space<vmem_shared>> -> memref<1x1x16x1024xf32, #tpu.memory_space<vmem_shared>>
    %dma_wait3A_375 = tpu.memref_squeeze %dma_wait3A_374 : memref<1x1x16x1024xf32, #tpu.memory_space<vmem_shared>> -> memref<16x1024xf32, #tpu.memory_space<vmem_shared>>
    tpu.wait_dma2 semaphore(%arg10 : memref<!tpu.dma_semaphore, #tpu.memory_space<semaphore_mem>>) src(%dma_wait3A_375 : memref<16x1024xf32, #tpu.memory_space<vmem_shared>>) dst(%dma_wait3A_371 : memref<16x1024xf32, #tpu.memory_space<hbm>>)
    %dma_start3A_376 = arith.constant 0 : i32
    %dma_start3A_377 = arith.constant 0 : i32
    %dma_start3A_378 = arith.constant 0 : i32
    %dma_start3A_379 = arith.constant 0 : i32
    %dma_start3A_380 = tpu.memref_slice %arg6[%dma_start3A_376, %dma_start3A_378, %dma_start3A_379] : memref<4x16x1024xf32, #tpu.memory_space<vmem>> -> memref<1x16x1024xf32, #tpu.memory_space<vmem>>
    %dma_start3A_381 = tpu.memref_squeeze %dma_start3A_380 : memref<1x16x1024xf32, #tpu.memory_space<vmem>> -> memref<16x1024xf32, #tpu.memory_space<vmem>>
    %dma_start3A_382 = arith.constant 0 : i32
    %dma_start3A_383 = arith.constant 0 : i32
    %dma_start3A_384 = tpu.memref_slice %arg7[%arg1, %dma_start3A_377, %dma_start3A_382, %dma_start3A_383] : memref<16x2x16x1024xf32, #tpu.memory_space<vmem_shared>> -> memref<1x1x16x1024xf32, #tpu.memory_space<vmem_shared>>
    %dma_start3A_385 = tpu.memref_squeeze %dma_start3A_384 : memref<1x1x16x1024xf32, #tpu.memory_space<vmem_shared>> -> memref<16x1024xf32, #tpu.memory_space<vmem_shared>>
    %dma_start3A_386 = arith.constant 0 : i32
    %dma_start3A_387 = arith.constant 0 : i32
    %dma_start3A_388 = tpu.memref_slice %arg7[%arg1, %dma_start3A_377, %dma_start3A_386, %dma_start3A_387] : memref<16x2x16x1024xf32, #tpu.memory_space<vmem_shared>> -> memref<1x1x16x1024xf32, #tpu.memory_space<vmem_shared>>
    %dma_start3A_389 = tpu.memref_squeeze %dma_start3A_388 : memref<1x1x16x1024xf32, #tpu.memory_space<vmem_shared>> -> memref<16x1024xf32, #tpu.memory_space<vmem_shared>>
    %dma_start3A_390 = arith.constant 0 : i32
    %dma_start3A_391 = arith.constant 0 : i32
    %dma_start3A_392 = tpu.memref_slice %arg6[%dma_start3A_376, %dma_start3A_390, %dma_start3A_391] : memref<4x16x1024xf32, #tpu.memory_space<vmem>> -> memref<1x16x1024xf32, #tpu.memory_space<vmem>>
    %dma_start3A_393 = tpu.memref_squeeze %dma_start3A_392 : memref<1x16x1024xf32, #tpu.memory_space<vmem>> -> memref<16x1024xf32, #tpu.memory_space<vmem>>
    tpu.enqueue_dma source(%dma_start3A_393 : memref<16x1024xf32, #tpu.memory_space<vmem>>) target(%dma_start3A_389 : memref<16x1024xf32, #tpu.memory_space<vmem_shared>>) target_semaphore(%arg9 : memref<!tpu.dma_semaphore, #tpu.memory_space<semaphore_mem>>)
    %dma_wait3A_394 = arith.constant 0 : i32
    %dma_wait3A_395 = arith.constant 0 : i32
    %dma_wait3A_396 = arith.constant 0 : i32
    %dma_wait3A_397 = arith.constant 0 : i32
    %dma_wait3A_398 = tpu.memref_slice %arg6[%dma_wait3A_394, %dma_wait3A_396, %dma_wait3A_397] : memref<4x16x1024xf32, #tpu.memory_space<vmem>> -> memref<1x16x1024xf32, #tpu.memory_space<vmem>>
    %dma_wait3A_399 = tpu.memref_squeeze %dma_wait3A_398 : memref<1x16x1024xf32, #tpu.memory_space<vmem>> -> memref<16x1024xf32, #tpu.memory_space<vmem>>
    %dma_wait3A_400 = arith.constant 0 : i32
    %dma_wait3A_401 = arith.constant 0 : i32
    %dma_wait3A_402 = tpu.memref_slice %arg7[%arg1, %dma_wait3A_395, %dma_wait3A_400, %dma_wait3A_401] : memref<16x2x16x1024xf32, #tpu.memory_space<vmem_shared>> -> memref<1x1x16x1024xf32, #tpu.memory_space<vmem_shared>>
    %dma_wait3A_403 = tpu.memref_squeeze %dma_wait3A_402 : memref<1x1x16x1024xf32, #tpu.memory_space<vmem_shared>> -> memref<16x1024xf32, #tpu.memory_space<vmem_shared>>
    %dma_wait3A_404 = arith.constant 0 : i32
    %dma_wait3A_405 = arith.constant 0 : i32
    %dma_wait3A_406 = tpu.memref_slice %arg7[%arg1, %dma_wait3A_395, %dma_wait3A_404, %dma_wait3A_405] : memref<16x2x16x1024xf32, #tpu.memory_space<vmem_shared>> -> memref<1x1x16x1024xf32, #tpu.memory_space<vmem_shared>>
    %dma_wait3A_407 = tpu.memref_squeeze %dma_wait3A_406 : memref<1x1x16x1024xf32, #tpu.memory_space<vmem_shared>> -> memref<16x1024xf32, #tpu.memory_space<vmem_shared>>
    %dma_wait3A_408 = arith.constant 0 : i32
    %dma_wait3A_409 = arith.constant 0 : i32
    %dma_wait3A_410 = tpu.memref_slice %arg6[%dma_wait3A_394, %dma_wait3A_408, %dma_wait3A_409] : memref<4x16x1024xf32, #tpu.memory_space<vmem>> -> memref<1x16x1024xf32, #tpu.memory_space<vmem>>
    %dma_wait3A_411 = tpu.memref_squeeze %dma_wait3A_410 : memref<1x16x1024xf32, #tpu.memory_space<vmem>> -> memref<16x1024xf32, #tpu.memory_space<vmem>>
    tpu.wait_dma2 semaphore(%arg9 : memref<!tpu.dma_semaphore, #tpu.memory_space<semaphore_mem>>) src(%dma_wait3A_411 : memref<16x1024xf32, #tpu.memory_space<vmem>>) dst(%dma_wait3A_407 : memref<16x1024xf32, #tpu.memory_space<vmem_shared>>)
    %add3A_412 = arith.constant 192 : i32
    %add3A_413 = arith.addi %mul3A_2, %add3A_412 : i32
    %dma_start3A_414 = arith.constant 0 : i32
    %dma_start3A_415 = arith.constant 0 : i32
    %dma_start3A_416 = tpu.memref_slice %arg4[%add3A_413, %dma_start3A_415] : memref<8192x1024xf32, #tpu.memory_space<hbm>> -> memref<16x1024xf32, #tpu.memory_space<hbm>>
    %dma_start3A_417 = arith.constant 0 : i32
    %dma_start3A_418 = arith.constant 0 : i32
    %dma_start3A_419 = tpu.memref_slice %arg7[%arg1, %dma_start3A_414, %dma_start3A_417, %dma_start3A_418] : memref<16x2x16x1024xf32, #tpu.memory_space<vmem_shared>> -> memref<1x1x16x1024xf32, #tpu.memory_space<vmem_shared>>
    %dma_start3A_420 = tpu.memref_squeeze %dma_start3A_419 : memref<1x1x16x1024xf32, #tpu.memory_space<vmem_shared>> -> memref<16x1024xf32, #tpu.memory_space<vmem_shared>>
    tpu.enqueue_dma source(%dma_start3A_420 : memref<16x1024xf32, #tpu.memory_space<vmem_shared>>) target(%dma_start3A_416 : memref<16x1024xf32, #tpu.memory_space<hbm>>) target_semaphore(%arg10 : memref<!tpu.dma_semaphore, #tpu.memory_space<semaphore_mem>>)
    %dma_wait3A_421 = arith.constant 1 : i32
    %dma_wait3A_422 = arith.constant 0 : i32
    %dma_wait3A_423 = arith.constant 0 : i32
    %dma_wait3A_424 = tpu.memref_slice %arg6[%dma_wait3A_421, %dma_wait3A_422, %dma_wait3A_423] : memref<4x16x1024xf32, #tpu.memory_space<vmem>> -> memref<1x16x1024xf32, #tpu.memory_space<vmem>>
    %dma_wait3A_425 = tpu.memref_squeeze %dma_wait3A_424 : memref<1x16x1024xf32, #tpu.memory_space<vmem>> -> memref<16x1024xf32, #tpu.memory_space<vmem>>
    %dma_wait3A_426 = arith.constant 208 : i32
    %dma_wait3A_427 = tpu.memref_slice %arg5[%dma_wait3A_426] : memref<256xi32, #tpu.memory_space<vmem>> -> memref<16xi32, #tpu.memory_space<vmem>>
    %dma_wait3A_428 = arith.constant 0 : i32
    %dma_wait3A_429 = arith.constant 0 : i32
    %dma_wait3A_430 = tpu.memref_slice %arg3[%dma_wait3A_428, %dma_wait3A_429] : memref<100000x1024xf32, #tpu.memory_space<hbm>> -> memref<100000x1024xf32, #tpu.memory_space<hbm>>
    tpu.wait_indirect_dma semaphore(%arg8 : memref<!tpu.dma_semaphore, #tpu.memory_space<semaphore_mem>>) src(%dma_wait3A_430 : memref<100000x1024xf32, #tpu.memory_space<hbm>>) dst(%dma_wait3A_425 : memref<16x1024xf32, #tpu.memory_space<vmem>>)
    %add3A_431 = arith.constant 176 : i32
    %add3A_432 = arith.addi %mul3A_2, %add3A_431 : i32
    %dma_wait3A_433 = arith.constant 1 : i32
    %dma_wait3A_434 = arith.constant 0 : i32
    %dma_wait3A_435 = tpu.memref_slice %arg4[%add3A_432, %dma_wait3A_434] : memref<8192x1024xf32, #tpu.memory_space<hbm>> -> memref<16x1024xf32, #tpu.memory_space<hbm>>
    %dma_wait3A_436 = arith.constant 0 : i32
    %dma_wait3A_437 = arith.constant 0 : i32
    %dma_wait3A_438 = tpu.memref_slice %arg7[%arg1, %dma_wait3A_433, %dma_wait3A_436, %dma_wait3A_437] : memref<16x2x16x1024xf32, #tpu.memory_space<vmem_shared>> -> memref<1x1x16x1024xf32, #tpu.memory_space<vmem_shared>>
    %dma_wait3A_439 = tpu.memref_squeeze %dma_wait3A_438 : memref<1x1x16x1024xf32, #tpu.memory_space<vmem_shared>> -> memref<16x1024xf32, #tpu.memory_space<vmem_shared>>
    tpu.wait_dma2 semaphore(%arg10 : memref<!tpu.dma_semaphore, #tpu.memory_space<semaphore_mem>>) src(%dma_wait3A_439 : memref<16x1024xf32, #tpu.memory_space<vmem_shared>>) dst(%dma_wait3A_435 : memref<16x1024xf32, #tpu.memory_space<hbm>>)
    %dma_start3A_440 = arith.constant 1 : i32
    %dma_start3A_441 = arith.constant 1 : i32
    %dma_start3A_442 = arith.constant 0 : i32
    %dma_start3A_443 = arith.constant 0 : i32
    %dma_start3A_444 = tpu.memref_slice %arg6[%dma_start3A_440, %dma_start3A_442, %dma_start3A_443] : memref<4x16x1024xf32, #tpu.memory_space<vmem>> -> memref<1x16x1024xf32, #tpu.memory_space<vmem>>
    %dma_start3A_445 = tpu.memref_squeeze %dma_start3A_444 : memref<1x16x1024xf32, #tpu.memory_space<vmem>> -> memref<16x1024xf32, #tpu.memory_space<vmem>>
    %dma_start3A_446 = arith.constant 0 : i32
    %dma_start3A_447 = arith.constant 0 : i32
    %dma_start3A_448 = tpu.memref_slice %arg7[%arg1, %dma_start3A_441, %dma_start3A_446, %dma_start3A_447] : memref<16x2x16x1024xf32, #tpu.memory_space<vmem_shared>> -> memref<1x1x16x1024xf32, #tpu.memory_space<vmem_shared>>
    %dma_start3A_449 = tpu.memref_squeeze %dma_start3A_448 : memref<1x1x16x1024xf32, #tpu.memory_space<vmem_shared>> -> memref<16x1024xf32, #tpu.memory_space<vmem_shared>>
    %dma_start3A_450 = arith.constant 0 : i32
    %dma_start3A_451 = arith.constant 0 : i32
    %dma_start3A_452 = tpu.memref_slice %arg7[%arg1, %dma_start3A_441, %dma_start3A_450, %dma_start3A_451] : memref<16x2x16x1024xf32, #tpu.memory_space<vmem_shared>> -> memref<1x1x16x1024xf32, #tpu.memory_space<vmem_shared>>
    %dma_start3A_453 = tpu.memref_squeeze %dma_start3A_452 : memref<1x1x16x1024xf32, #tpu.memory_space<vmem_shared>> -> memref<16x1024xf32, #tpu.memory_space<vmem_shared>>
    %dma_start3A_454 = arith.constant 0 : i32
    %dma_start3A_455 = arith.constant 0 : i32
    %dma_start3A_456 = tpu.memref_slice %arg6[%dma_start3A_440, %dma_start3A_454, %dma_start3A_455] : memref<4x16x1024xf32, #tpu.memory_space<vmem>> -> memref<1x16x1024xf32, #tpu.memory_space<vmem>>
    %dma_start3A_457 = tpu.memref_squeeze %dma_start3A_456 : memref<1x16x1024xf32, #tpu.memory_space<vmem>> -> memref<16x1024xf32, #tpu.memory_space<vmem>>
    tpu.enqueue_dma source(%dma_start3A_457 : memref<16x1024xf32, #tpu.memory_space<vmem>>) target(%dma_start3A_453 : memref<16x1024xf32, #tpu.memory_space<vmem_shared>>) target_semaphore(%arg9 : memref<!tpu.dma_semaphore, #tpu.memory_space<semaphore_mem>>)
    %dma_wait3A_458 = arith.constant 1 : i32
    %dma_wait3A_459 = arith.constant 1 : i32
    %dma_wait3A_460 = arith.constant 0 : i32
    %dma_wait3A_461 = arith.constant 0 : i32
    %dma_wait3A_462 = tpu.memref_slice %arg6[%dma_wait3A_458, %dma_wait3A_460, %dma_wait3A_461] : memref<4x16x1024xf32, #tpu.memory_space<vmem>> -> memref<1x16x1024xf32, #tpu.memory_space<vmem>>
    %dma_wait3A_463 = tpu.memref_squeeze %dma_wait3A_462 : memref<1x16x1024xf32, #tpu.memory_space<vmem>> -> memref<16x1024xf32, #tpu.memory_space<vmem>>
    %dma_wait3A_464 = arith.constant 0 : i32
    %dma_wait3A_465 = arith.constant 0 : i32
    %dma_wait3A_466 = tpu.memref_slice %arg7[%arg1, %dma_wait3A_459, %dma_wait3A_464, %dma_wait3A_465] : memref<16x2x16x1024xf32, #tpu.memory_space<vmem_shared>> -> memref<1x1x16x1024xf32, #tpu.memory_space<vmem_shared>>
    %dma_wait3A_467 = tpu.memref_squeeze %dma_wait3A_466 : memref<1x1x16x1024xf32, #tpu.memory_space<vmem_shared>> -> memref<16x1024xf32, #tpu.memory_space<vmem_shared>>
    %dma_wait3A_468 = arith.constant 0 : i32
    %dma_wait3A_469 = arith.constant 0 : i32
    %dma_wait3A_470 = tpu.memref_slice %arg7[%arg1, %dma_wait3A_459, %dma_wait3A_468, %dma_wait3A_469] : memref<16x2x16x1024xf32, #tpu.memory_space<vmem_shared>> -> memref<1x1x16x1024xf32, #tpu.memory_space<vmem_shared>>
    %dma_wait3A_471 = tpu.memref_squeeze %dma_wait3A_470 : memref<1x1x16x1024xf32, #tpu.memory_space<vmem_shared>> -> memref<16x1024xf32, #tpu.memory_space<vmem_shared>>
    %dma_wait3A_472 = arith.constant 0 : i32
    %dma_wait3A_473 = arith.constant 0 : i32
    %dma_wait3A_474 = tpu.memref_slice %arg6[%dma_wait3A_458, %dma_wait3A_472, %dma_wait3A_473] : memref<4x16x1024xf32, #tpu.memory_space<vmem>> -> memref<1x16x1024xf32, #tpu.memory_space<vmem>>
    %dma_wait3A_475 = tpu.memref_squeeze %dma_wait3A_474 : memref<1x16x1024xf32, #tpu.memory_space<vmem>> -> memref<16x1024xf32, #tpu.memory_space<vmem>>
    tpu.wait_dma2 semaphore(%arg9 : memref<!tpu.dma_semaphore, #tpu.memory_space<semaphore_mem>>) src(%dma_wait3A_475 : memref<16x1024xf32, #tpu.memory_space<vmem>>) dst(%dma_wait3A_471 : memref<16x1024xf32, #tpu.memory_space<vmem_shared>>)
    %add3A_476 = arith.constant 208 : i32
    %add3A_477 = arith.addi %mul3A_2, %add3A_476 : i32
    %dma_start3A_478 = arith.constant 1 : i32
    %dma_start3A_479 = arith.constant 0 : i32
    %dma_start3A_480 = tpu.memref_slice %arg4[%add3A_477, %dma_start3A_479] : memref<8192x1024xf32, #tpu.memory_space<hbm>> -> memref<16x1024xf32, #tpu.memory_space<hbm>>
    %dma_start3A_481 = arith.constant 0 : i32
    %dma_start3A_482 = arith.constant 0 : i32
    %dma_start3A_483 = tpu.memref_slice %arg7[%arg1, %dma_start3A_478, %dma_start3A_481, %dma_start3A_482] : memref<16x2x16x1024xf32, #tpu.memory_space<vmem_shared>> -> memref<1x1x16x1024xf32, #tpu.memory_space<vmem_shared>>
    %dma_start3A_484 = tpu.memref_squeeze %dma_start3A_483 : memref<1x1x16x1024xf32, #tpu.memory_space<vmem_shared>> -> memref<16x1024xf32, #tpu.memory_space<vmem_shared>>
    tpu.enqueue_dma source(%dma_start3A_484 : memref<16x1024xf32, #tpu.memory_space<vmem_shared>>) target(%dma_start3A_480 : memref<16x1024xf32, #tpu.memory_space<hbm>>) target_semaphore(%arg10 : memref<!tpu.dma_semaphore, #tpu.memory_space<semaphore_mem>>)
    %dma_wait3A_485 = arith.constant 2 : i32
    %dma_wait3A_486 = arith.constant 0 : i32
    %dma_wait3A_487 = arith.constant 0 : i32
    %dma_wait3A_488 = tpu.memref_slice %arg6[%dma_wait3A_485, %dma_wait3A_486, %dma_wait3A_487] : memref<4x16x1024xf32, #tpu.memory_space<vmem>> -> memref<1x16x1024xf32, #tpu.memory_space<vmem>>
    %dma_wait3A_489 = tpu.memref_squeeze %dma_wait3A_488 : memref<1x16x1024xf32, #tpu.memory_space<vmem>> -> memref<16x1024xf32, #tpu.memory_space<vmem>>
    %dma_wait3A_490 = arith.constant 224 : i32
    %dma_wait3A_491 = tpu.memref_slice %arg5[%dma_wait3A_490] : memref<256xi32, #tpu.memory_space<vmem>> -> memref<16xi32, #tpu.memory_space<vmem>>
    %dma_wait3A_492 = arith.constant 0 : i32
    %dma_wait3A_493 = arith.constant 0 : i32
    %dma_wait3A_494 = tpu.memref_slice %arg3[%dma_wait3A_492, %dma_wait3A_493] : memref<100000x1024xf32, #tpu.memory_space<hbm>> -> memref<100000x1024xf32, #tpu.memory_space<hbm>>
    tpu.wait_indirect_dma semaphore(%arg8 : memref<!tpu.dma_semaphore, #tpu.memory_space<semaphore_mem>>) src(%dma_wait3A_494 : memref<100000x1024xf32, #tpu.memory_space<hbm>>) dst(%dma_wait3A_489 : memref<16x1024xf32, #tpu.memory_space<vmem>>)
    %add3A_495 = arith.constant 192 : i32
    %add3A_496 = arith.addi %mul3A_2, %add3A_495 : i32
    %dma_wait3A_497 = arith.constant 0 : i32
    %dma_wait3A_498 = arith.constant 0 : i32
    %dma_wait3A_499 = tpu.memref_slice %arg4[%add3A_496, %dma_wait3A_498] : memref<8192x1024xf32, #tpu.memory_space<hbm>> -> memref<16x1024xf32, #tpu.memory_space<hbm>>
    %dma_wait3A_500 = arith.constant 0 : i32
    %dma_wait3A_501 = arith.constant 0 : i32
    %dma_wait3A_502 = tpu.memref_slice %arg7[%arg1, %dma_wait3A_497, %dma_wait3A_500, %dma_wait3A_501] : memref<16x2x16x1024xf32, #tpu.memory_space<vmem_shared>> -> memref<1x1x16x1024xf32, #tpu.memory_space<vmem_shared>>
    %dma_wait3A_503 = tpu.memref_squeeze %dma_wait3A_502 : memref<1x1x16x1024xf32, #tpu.memory_space<vmem_shared>> -> memref<16x1024xf32, #tpu.memory_space<vmem_shared>>
    tpu.wait_dma2 semaphore(%arg10 : memref<!tpu.dma_semaphore, #tpu.memory_space<semaphore_mem>>) src(%dma_wait3A_503 : memref<16x1024xf32, #tpu.memory_space<vmem_shared>>) dst(%dma_wait3A_499 : memref<16x1024xf32, #tpu.memory_space<hbm>>)
    %dma_start3A_504 = arith.constant 2 : i32
    %dma_start3A_505 = arith.constant 0 : i32
    %dma_start3A_506 = arith.constant 0 : i32
    %dma_start3A_507 = arith.constant 0 : i32
    %dma_start3A_508 = tpu.memref_slice %arg6[%dma_start3A_504, %dma_start3A_506, %dma_start3A_507] : memref<4x16x1024xf32, #tpu.memory_space<vmem>> -> memref<1x16x1024xf32, #tpu.memory_space<vmem>>
    %dma_start3A_509 = tpu.memref_squeeze %dma_start3A_508 : memref<1x16x1024xf32, #tpu.memory_space<vmem>> -> memref<16x1024xf32, #tpu.memory_space<vmem>>
    %dma_start3A_510 = arith.constant 0 : i32
    %dma_start3A_511 = arith.constant 0 : i32
    %dma_start3A_512 = tpu.memref_slice %arg7[%arg1, %dma_start3A_505, %dma_start3A_510, %dma_start3A_511] : memref<16x2x16x1024xf32, #tpu.memory_space<vmem_shared>> -> memref<1x1x16x1024xf32, #tpu.memory_space<vmem_shared>>
    %dma_start3A_513 = tpu.memref_squeeze %dma_start3A_512 : memref<1x1x16x1024xf32, #tpu.memory_space<vmem_shared>> -> memref<16x1024xf32, #tpu.memory_space<vmem_shared>>
    %dma_start3A_514 = arith.constant 0 : i32
    %dma_start3A_515 = arith.constant 0 : i32
    %dma_start3A_516 = tpu.memref_slice %arg7[%arg1, %dma_start3A_505, %dma_start3A_514, %dma_start3A_515] : memref<16x2x16x1024xf32, #tpu.memory_space<vmem_shared>> -> memref<1x1x16x1024xf32, #tpu.memory_space<vmem_shared>>
    %dma_start3A_517 = tpu.memref_squeeze %dma_start3A_516 : memref<1x1x16x1024xf32, #tpu.memory_space<vmem_shared>> -> memref<16x1024xf32, #tpu.memory_space<vmem_shared>>
    %dma_start3A_518 = arith.constant 0 : i32
    %dma_start3A_519 = arith.constant 0 : i32
    %dma_start3A_520 = tpu.memref_slice %arg6[%dma_start3A_504, %dma_start3A_518, %dma_start3A_519] : memref<4x16x1024xf32, #tpu.memory_space<vmem>> -> memref<1x16x1024xf32, #tpu.memory_space<vmem>>
    %dma_start3A_521 = tpu.memref_squeeze %dma_start3A_520 : memref<1x16x1024xf32, #tpu.memory_space<vmem>> -> memref<16x1024xf32, #tpu.memory_space<vmem>>
    tpu.enqueue_dma source(%dma_start3A_521 : memref<16x1024xf32, #tpu.memory_space<vmem>>) target(%dma_start3A_517 : memref<16x1024xf32, #tpu.memory_space<vmem_shared>>) target_semaphore(%arg9 : memref<!tpu.dma_semaphore, #tpu.memory_space<semaphore_mem>>)
    %dma_wait3A_522 = arith.constant 2 : i32
    %dma_wait3A_523 = arith.constant 0 : i32
    %dma_wait3A_524 = arith.constant 0 : i32
    %dma_wait3A_525 = arith.constant 0 : i32
    %dma_wait3A_526 = tpu.memref_slice %arg6[%dma_wait3A_522, %dma_wait3A_524, %dma_wait3A_525] : memref<4x16x1024xf32, #tpu.memory_space<vmem>> -> memref<1x16x1024xf32, #tpu.memory_space<vmem>>
    %dma_wait3A_527 = tpu.memref_squeeze %dma_wait3A_526 : memref<1x16x1024xf32, #tpu.memory_space<vmem>> -> memref<16x1024xf32, #tpu.memory_space<vmem>>
    %dma_wait3A_528 = arith.constant 0 : i32
    %dma_wait3A_529 = arith.constant 0 : i32
    %dma_wait3A_530 = tpu.memref_slice %arg7[%arg1, %dma_wait3A_523, %dma_wait3A_528, %dma_wait3A_529] : memref<16x2x16x1024xf32, #tpu.memory_space<vmem_shared>> -> memref<1x1x16x1024xf32, #tpu.memory_space<vmem_shared>>
    %dma_wait3A_531 = tpu.memref_squeeze %dma_wait3A_530 : memref<1x1x16x1024xf32, #tpu.memory_space<vmem_shared>> -> memref<16x1024xf32, #tpu.memory_space<vmem_shared>>
    %dma_wait3A_532 = arith.constant 0 : i32
    %dma_wait3A_533 = arith.constant 0 : i32
    %dma_wait3A_534 = tpu.memref_slice %arg7[%arg1, %dma_wait3A_523, %dma_wait3A_532, %dma_wait3A_533] : memref<16x2x16x1024xf32, #tpu.memory_space<vmem_shared>> -> memref<1x1x16x1024xf32, #tpu.memory_space<vmem_shared>>
    %dma_wait3A_535 = tpu.memref_squeeze %dma_wait3A_534 : memref<1x1x16x1024xf32, #tpu.memory_space<vmem_shared>> -> memref<16x1024xf32, #tpu.memory_space<vmem_shared>>
    %dma_wait3A_536 = arith.constant 0 : i32
    %dma_wait3A_537 = arith.constant 0 : i32
    %dma_wait3A_538 = tpu.memref_slice %arg6[%dma_wait3A_522, %dma_wait3A_536, %dma_wait3A_537] : memref<4x16x1024xf32, #tpu.memory_space<vmem>> -> memref<1x16x1024xf32, #tpu.memory_space<vmem>>
    %dma_wait3A_539 = tpu.memref_squeeze %dma_wait3A_538 : memref<1x16x1024xf32, #tpu.memory_space<vmem>> -> memref<16x1024xf32, #tpu.memory_space<vmem>>
    tpu.wait_dma2 semaphore(%arg9 : memref<!tpu.dma_semaphore, #tpu.memory_space<semaphore_mem>>) src(%dma_wait3A_539 : memref<16x1024xf32, #tpu.memory_space<vmem>>) dst(%dma_wait3A_535 : memref<16x1024xf32, #tpu.memory_space<vmem_shared>>)
    %add3A_540 = arith.constant 224 : i32
    %add3A_541 = arith.addi %mul3A_2, %add3A_540 : i32
    %dma_start3A_542 = arith.constant 0 : i32
    %dma_start3A_543 = arith.constant 0 : i32
    %dma_start3A_544 = tpu.memref_slice %arg4[%add3A_541, %dma_start3A_543] : memref<8192x1024xf32, #tpu.memory_space<hbm>> -> memref<16x1024xf32, #tpu.memory_space<hbm>>
    %dma_start3A_545 = arith.constant 0 : i32
    %dma_start3A_546 = arith.constant 0 : i32
    %dma_start3A_547 = tpu.memref_slice %arg7[%arg1, %dma_start3A_542, %dma_start3A_545, %dma_start3A_546] : memref<16x2x16x1024xf32, #tpu.memory_space<vmem_shared>> -> memref<1x1x16x1024xf32, #tpu.memory_space<vmem_shared>>
    %dma_start3A_548 = tpu.memref_squeeze %dma_start3A_547 : memref<1x1x16x1024xf32, #tpu.memory_space<vmem_shared>> -> memref<16x1024xf32, #tpu.memory_space<vmem_shared>>
    tpu.enqueue_dma source(%dma_start3A_548 : memref<16x1024xf32, #tpu.memory_space<vmem_shared>>) target(%dma_start3A_544 : memref<16x1024xf32, #tpu.memory_space<hbm>>) target_semaphore(%arg10 : memref<!tpu.dma_semaphore, #tpu.memory_space<semaphore_mem>>)
    %dma_wait3A_549 = arith.constant 3 : i32
    %dma_wait3A_550 = arith.constant 0 : i32
    %dma_wait3A_551 = arith.constant 0 : i32
    %dma_wait3A_552 = tpu.memref_slice %arg6[%dma_wait3A_549, %dma_wait3A_550, %dma_wait3A_551] : memref<4x16x1024xf32, #tpu.memory_space<vmem>> -> memref<1x16x1024xf32, #tpu.memory_space<vmem>>
    %dma_wait3A_553 = tpu.memref_squeeze %dma_wait3A_552 : memref<1x16x1024xf32, #tpu.memory_space<vmem>> -> memref<16x1024xf32, #tpu.memory_space<vmem>>
    %dma_wait3A_554 = arith.constant 240 : i32
    %dma_wait3A_555 = tpu.memref_slice %arg5[%dma_wait3A_554] : memref<256xi32, #tpu.memory_space<vmem>> -> memref<16xi32, #tpu.memory_space<vmem>>
    %dma_wait3A_556 = arith.constant 0 : i32
    %dma_wait3A_557 = arith.constant 0 : i32
    %dma_wait3A_558 = tpu.memref_slice %arg3[%dma_wait3A_556, %dma_wait3A_557] : memref<100000x1024xf32, #tpu.memory_space<hbm>> -> memref<100000x1024xf32, #tpu.memory_space<hbm>>
    tpu.wait_indirect_dma semaphore(%arg8 : memref<!tpu.dma_semaphore, #tpu.memory_space<semaphore_mem>>) src(%dma_wait3A_558 : memref<100000x1024xf32, #tpu.memory_space<hbm>>) dst(%dma_wait3A_553 : memref<16x1024xf32, #tpu.memory_space<vmem>>)
    %add3A_559 = arith.constant 208 : i32
    %add3A_560 = arith.addi %mul3A_2, %add3A_559 : i32
    %dma_wait3A_561 = arith.constant 1 : i32
    %dma_wait3A_562 = arith.constant 0 : i32
    %dma_wait3A_563 = tpu.memref_slice %arg4[%add3A_560, %dma_wait3A_562] : memref<8192x1024xf32, #tpu.memory_space<hbm>> -> memref<16x1024xf32, #tpu.memory_space<hbm>>
    %dma_wait3A_564 = arith.constant 0 : i32
    %dma_wait3A_565 = arith.constant 0 : i32
    %dma_wait3A_566 = tpu.memref_slice %arg7[%arg1, %dma_wait3A_561, %dma_wait3A_564, %dma_wait3A_565] : memref<16x2x16x1024xf32, #tpu.memory_space<vmem_shared>> -> memref<1x1x16x1024xf32, #tpu.memory_space<vmem_shared>>
    %dma_wait3A_567 = tpu.memref_squeeze %dma_wait3A_566 : memref<1x1x16x1024xf32, #tpu.memory_space<vmem_shared>> -> memref<16x1024xf32, #tpu.memory_space<vmem_shared>>
    tpu.wait_dma2 semaphore(%arg10 : memref<!tpu.dma_semaphore, #tpu.memory_space<semaphore_mem>>) src(%dma_wait3A_567 : memref<16x1024xf32, #tpu.memory_space<vmem_shared>>) dst(%dma_wait3A_563 : memref<16x1024xf32, #tpu.memory_space<hbm>>)
    %dma_start3A_568 = arith.constant 3 : i32
    %dma_start3A_569 = arith.constant 1 : i32
    %dma_start3A_570 = arith.constant 0 : i32
    %dma_start3A_571 = arith.constant 0 : i32
    %dma_start3A_572 = tpu.memref_slice %arg6[%dma_start3A_568, %dma_start3A_570, %dma_start3A_571] : memref<4x16x1024xf32, #tpu.memory_space<vmem>> -> memref<1x16x1024xf32, #tpu.memory_space<vmem>>
    %dma_start3A_573 = tpu.memref_squeeze %dma_start3A_572 : memref<1x16x1024xf32, #tpu.memory_space<vmem>> -> memref<16x1024xf32, #tpu.memory_space<vmem>>
    %dma_start3A_574 = arith.constant 0 : i32
    %dma_start3A_575 = arith.constant 0 : i32
    %dma_start3A_576 = tpu.memref_slice %arg7[%arg1, %dma_start3A_569, %dma_start3A_574, %dma_start3A_575] : memref<16x2x16x1024xf32, #tpu.memory_space<vmem_shared>> -> memref<1x1x16x1024xf32, #tpu.memory_space<vmem_shared>>
    %dma_start3A_577 = tpu.memref_squeeze %dma_start3A_576 : memref<1x1x16x1024xf32, #tpu.memory_space<vmem_shared>> -> memref<16x1024xf32, #tpu.memory_space<vmem_shared>>
    %dma_start3A_578 = arith.constant 0 : i32
    %dma_start3A_579 = arith.constant 0 : i32
    %dma_start3A_580 = tpu.memref_slice %arg7[%arg1, %dma_start3A_569, %dma_start3A_578, %dma_start3A_579] : memref<16x2x16x1024xf32, #tpu.memory_space<vmem_shared>> -> memref<1x1x16x1024xf32, #tpu.memory_space<vmem_shared>>
    %dma_start3A_581 = tpu.memref_squeeze %dma_start3A_580 : memref<1x1x16x1024xf32, #tpu.memory_space<vmem_shared>> -> memref<16x1024xf32, #tpu.memory_space<vmem_shared>>
    %dma_start3A_582 = arith.constant 0 : i32
    %dma_start3A_583 = arith.constant 0 : i32
    %dma_start3A_584 = tpu.memref_slice %arg6[%dma_start3A_568, %dma_start3A_582, %dma_start3A_583] : memref<4x16x1024xf32, #tpu.memory_space<vmem>> -> memref<1x16x1024xf32, #tpu.memory_space<vmem>>
    %dma_start3A_585 = tpu.memref_squeeze %dma_start3A_584 : memref<1x16x1024xf32, #tpu.memory_space<vmem>> -> memref<16x1024xf32, #tpu.memory_space<vmem>>
    tpu.enqueue_dma source(%dma_start3A_585 : memref<16x1024xf32, #tpu.memory_space<vmem>>) target(%dma_start3A_581 : memref<16x1024xf32, #tpu.memory_space<vmem_shared>>) target_semaphore(%arg9 : memref<!tpu.dma_semaphore, #tpu.memory_space<semaphore_mem>>)
    %dma_wait3A_586 = arith.constant 3 : i32
    %dma_wait3A_587 = arith.constant 1 : i32
    %dma_wait3A_588 = arith.constant 0 : i32
    %dma_wait3A_589 = arith.constant 0 : i32
    %dma_wait3A_590 = tpu.memref_slice %arg6[%dma_wait3A_586, %dma_wait3A_588, %dma_wait3A_589] : memref<4x16x1024xf32, #tpu.memory_space<vmem>> -> memref<1x16x1024xf32, #tpu.memory_space<vmem>>
    %dma_wait3A_591 = tpu.memref_squeeze %dma_wait3A_590 : memref<1x16x1024xf32, #tpu.memory_space<vmem>> -> memref<16x1024xf32, #tpu.memory_space<vmem>>
    %dma_wait3A_592 = arith.constant 0 : i32
    %dma_wait3A_593 = arith.constant 0 : i32
    %dma_wait3A_594 = tpu.memref_slice %arg7[%arg1, %dma_wait3A_587, %dma_wait3A_592, %dma_wait3A_593] : memref<16x2x16x1024xf32, #tpu.memory_space<vmem_shared>> -> memref<1x1x16x1024xf32, #tpu.memory_space<vmem_shared>>
    %dma_wait3A_595 = tpu.memref_squeeze %dma_wait3A_594 : memref<1x1x16x1024xf32, #tpu.memory_space<vmem_shared>> -> memref<16x1024xf32, #tpu.memory_space<vmem_shared>>
    %dma_wait3A_596 = arith.constant 0 : i32
    %dma_wait3A_597 = arith.constant 0 : i32
    %dma_wait3A_598 = tpu.memref_slice %arg7[%arg1, %dma_wait3A_587, %dma_wait3A_596, %dma_wait3A_597] : memref<16x2x16x1024xf32, #tpu.memory_space<vmem_shared>> -> memref<1x1x16x1024xf32, #tpu.memory_space<vmem_shared>>
    %dma_wait3A_599 = tpu.memref_squeeze %dma_wait3A_598 : memref<1x1x16x1024xf32, #tpu.memory_space<vmem_shared>> -> memref<16x1024xf32, #tpu.memory_space<vmem_shared>>
    %dma_wait3A_600 = arith.constant 0 : i32
    %dma_wait3A_601 = arith.constant 0 : i32
    %dma_wait3A_602 = tpu.memref_slice %arg6[%dma_wait3A_586, %dma_wait3A_600, %dma_wait3A_601] : memref<4x16x1024xf32, #tpu.memory_space<vmem>> -> memref<1x16x1024xf32, #tpu.memory_space<vmem>>
    %dma_wait3A_603 = tpu.memref_squeeze %dma_wait3A_602 : memref<1x16x1024xf32, #tpu.memory_space<vmem>> -> memref<16x1024xf32, #tpu.memory_space<vmem>>
    tpu.wait_dma2 semaphore(%arg9 : memref<!tpu.dma_semaphore, #tpu.memory_space<semaphore_mem>>) src(%dma_wait3A_603 : memref<16x1024xf32, #tpu.memory_space<vmem>>) dst(%dma_wait3A_599 : memref<16x1024xf32, #tpu.memory_space<vmem_shared>>)
    %add3A_604 = arith.constant 240 : i32
    %add3A_605 = arith.addi %mul3A_2, %add3A_604 : i32
    %dma_start3A_606 = arith.constant 1 : i32
    %dma_start3A_607 = arith.constant 0 : i32
    %dma_start3A_608 = tpu.memref_slice %arg4[%add3A_605, %dma_start3A_607] : memref<8192x1024xf32, #tpu.memory_space<hbm>> -> memref<16x1024xf32, #tpu.memory_space<hbm>>
    %dma_start3A_609 = arith.constant 0 : i32
    %dma_start3A_610 = arith.constant 0 : i32
    %dma_start3A_611 = tpu.memref_slice %arg7[%arg1, %dma_start3A_606, %dma_start3A_609, %dma_start3A_610] : memref<16x2x16x1024xf32, #tpu.memory_space<vmem_shared>> -> memref<1x1x16x1024xf32, #tpu.memory_space<vmem_shared>>
    %dma_start3A_612 = tpu.memref_squeeze %dma_start3A_611 : memref<1x1x16x1024xf32, #tpu.memory_space<vmem_shared>> -> memref<16x1024xf32, #tpu.memory_space<vmem_shared>>
    tpu.enqueue_dma source(%dma_start3A_612 : memref<16x1024xf32, #tpu.memory_space<vmem_shared>>) target(%dma_start3A_608 : memref<16x1024xf32, #tpu.memory_space<hbm>>) target_semaphore(%arg10 : memref<!tpu.dma_semaphore, #tpu.memory_space<semaphore_mem>>)
    %add3A_613 = arith.constant 224 : i32
    %add3A_614 = arith.addi %mul3A_2, %add3A_613 : i32
    %dma_wait3A_615 = arith.constant 0 : i32
    %dma_wait3A_616 = arith.constant 0 : i32
    %dma_wait3A_617 = tpu.memref_slice %arg4[%add3A_614, %dma_wait3A_616] : memref<8192x1024xf32, #tpu.memory_space<hbm>> -> memref<16x1024xf32, #tpu.memory_space<hbm>>
    %dma_wait3A_618 = arith.constant 0 : i32
    %dma_wait3A_619 = arith.constant 0 : i32
    %dma_wait3A_620 = tpu.memref_slice %arg7[%arg1, %dma_wait3A_615, %dma_wait3A_618, %dma_wait3A_619] : memref<16x2x16x1024xf32, #tpu.memory_space<vmem_shared>> -> memref<1x1x16x1024xf32, #tpu.memory_space<vmem_shared>>
    %dma_wait3A_621 = tpu.memref_squeeze %dma_wait3A_620 : memref<1x1x16x1024xf32, #tpu.memory_space<vmem_shared>> -> memref<16x1024xf32, #tpu.memory_space<vmem_shared>>
    tpu.wait_dma2 semaphore(%arg10 : memref<!tpu.dma_semaphore, #tpu.memory_space<semaphore_mem>>) src(%dma_wait3A_621 : memref<16x1024xf32, #tpu.memory_space<vmem_shared>>) dst(%dma_wait3A_617 : memref<16x1024xf32, #tpu.memory_space<hbm>>)
    %add3A_622 = arith.constant 240 : i32
    %add3A_623 = arith.addi %mul3A_2, %add3A_622 : i32
    %dma_wait3A_624 = arith.constant 1 : i32
    %dma_wait3A_625 = arith.constant 0 : i32
    %dma_wait3A_626 = tpu.memref_slice %arg4[%add3A_623, %dma_wait3A_625] : memref<8192x1024xf32, #tpu.memory_space<hbm>> -> memref<16x1024xf32, #tpu.memory_space<hbm>>
    %dma_wait3A_627 = arith.constant 0 : i32
    %dma_wait3A_628 = arith.constant 0 : i32
    %dma_wait3A_629 = tpu.memref_slice %arg7[%arg1, %dma_wait3A_624, %dma_wait3A_627, %dma_wait3A_628] : memref<16x2x16x1024xf32, #tpu.memory_space<vmem_shared>> -> memref<1x1x16x1024xf32, #tpu.memory_space<vmem_shared>>
    %dma_wait3A_630 = tpu.memref_squeeze %dma_wait3A_629 : memref<1x1x16x1024xf32, #tpu.memory_space<vmem_shared>> -> memref<16x1024xf32, #tpu.memory_space<vmem_shared>>
    tpu.wait_dma2 semaphore(%arg10 : memref<!tpu.dma_semaphore, #tpu.memory_space<semaphore_mem>>) src(%dma_wait3A_630 : memref<16x1024xf32, #tpu.memory_space<vmem_shared>>) dst(%dma_wait3A_626 : memref<16x1024xf32, #tpu.memory_space<hbm>>)
    return
  }
}

</mosaic_0001>

<sc_bundles>
// kernel: kernel.3.cloned.1.call-start
scs
__scs_entry_jumppad:
0x0: {  	(pc) =	sbr.rel $0x88, $3  }
0x1: {  	(tag) =	ssettag $0x0;
	lr =	simm.s32 $0x1  }
0x2: {  	[smem:$0x3F9F] =	sst lr;
	_ =	strace $0xD0000000  }
0x3: {  	_ = 	snop  }
0x4: {  	_ = 	snop  }
0x5: {  	_ = 	snop  }
0x6: {  	_ = 	snop  }
0x7: {  	_ = 	snop  }
__scs_overlays_trampoline_lowered:
0x8: {  	[smem:$0x3FAE] =	sst s0  }
0x9: {  	[smem:$0x3FAF] =	sst s1  }
0xa: {  	[smem:$0x3FB0] =	sst s2  }
0xb: {  	[smem:$0x3FB1] =	sst s3  }
0xc: {  	[smem:$0x3FB2] =	sst s4  }
0xd: {  	[smem:$0x3FB3] =	sst s5  }
0xe: {  	[smem:$0x3FB4] =	sst s6  }
0xf: {  	[smem:$0x3FB5] =	sst s7  }
0x10: {  	[smem:$0x3FB6] =	sst s8  }
0x11: {  	[smem:$0x3FB7] =	sst s9;
	s0 =	simm.s32 @!p0 $0x0  }
0x12: {  	s1 =	sld [smem:$0x3F9D];
	s0 =	simm.s32 @p0 $0x1  }
0x13: {  	[smem:$0x3FB8] =	sst s0;
	s0 =	simm.s32 @!p1 $0x0  }
0x14: {  	s2 =	sld [smem:$0x3F9C];
	s0 =	simm.s32 @p1 $0x1  }
0x15: {  	[smem:$0x3FB9] =	sst s0;
	s0 =	simm.s32 @!p2 $0x0  }
0x16: {  	s3 =	sld [smem:$0x3FDB];
	s0 =	simm.s32 @p2 $0x1  }
0x17: {  	s4 =	simm.s32 $0x1BF5;
	[smem:$0x3FBB] =	sst s0  }
0x18: {  	s0 =	sld [smem:$0x3F9E];
	_ =	swait.ge [sflag:s4], $0x0  }
0x19: {  	s7 =	sld [smem:$0x3F9F]  }
0x1a: {  	s8 =	sadd.s32 $0xFFFFE003, lr  }
0x1b: {  	s9 =	sadd.s32 $0xFFFFFEF7, lr;
	s5 =	simm.s32 $0xFFFFFFFF;
	p2 =	slt.u32 s8, $0xFFFFF086  }
0x1c: {  	p1 =	slt.u32 s9, $0xF7A;
	s5 =	simm.s32 @!p2 $0x0  }
0x1d: {  	s5 =	simm.s32 @p1 $0x1;
	p0 =	seq.s32 s7, s2  }
0x1e: {  	s7 =	smul.u32 @!p0 $0xF7A, s2;
	p2 =	seq.s32 @!p0 s5, $0x0  }
0x1f: {  	s9 =	smul.u32 $0xF7A, s1;
	s8 =	simm.s32 @!p0 $0x1BF5;
	p2 =	por !p2, p0  }
0x20: {  	[sflag:s8] =	ssyncset.s32 @!p0 $0xFFFFF086;
	s6 =	sadd.s32 @!p0 s3, s7;
	s7 =	simm.s32 @!p0 $0x108  }
0x21: {  	s3 =	sadd.s32 s3, s9;
	s6 =	sadd.s32 @!p0 $0x88, s6;
	s7 =	simm.s32 @p2 $0x1082  }
0x22: {  	[simem:s7], [sflag:s8] =	dma.local @!p0 [hbm:s6], $0xF7A  }
0x23: {  	s9 =	sor.u32 $0xD0000000, s2;
	s6 =	simm.s32 $0x108;
	_ =	swait.ge @!p0 [sflag:s8], $0x0  }
0x24: {  	s3 =	sadd.s32 $0x88, s3;
	s6 =	simm.s32 @!p1 $0x1082;
	[sflag:s4] =	ssyncset.s32 $0xFFFFF086  }
0x25: {  	[simem:s6], [sflag:s4] =	dma.local [hbm:s3], $0xF7A  }
0x26: {  	[smem:$0x3F9F] =	sst s1;
	(tag) =	ssettag s2;
	_ =	strace s9  }
0x27: {  	s1 =	sld [smem:$0x3FAF]  }
0x28: {  	s2 =	sld [smem:$0x3FB0]  }
0x29: {  	s4 =	sld [smem:$0x3FB2]  }
0x2a: {  	p0 =	seq.s32 s5, $0x0;
	s5 =	sld [smem:$0x3FB3]  }
0x2b: {  	s6 =	sld [smem:$0x3FB4]  }
0x2c: {  	s7 =	sld [smem:$0x3FB5]  }
0x2d: {  	s3 =	simm.s32 $0x108;
	s8 =	sld [smem:$0x3FB6]  }
0x2e: {  	s3 =	simm.s32 @!p0 $0x1082;
	s9 =	sld [smem:$0x3FB7]  }
0x2f: {  	lr =	sadd.s32 s0, s3;
	s0 =	sld [smem:$0x3FAE]  }
0x30: {  	s3 =	sld [smem:$0x3FB1]  }
0x31: {  	[smem:$0x3FBA] =	sst s10  }
0x32: {  	s10 =	sld [smem:$0x3FB8];
	_ =	sdelay $0x3  }
0x33: {  	p0 =	seq.s32 s10, $0x1;
	s10 =	sld [smem:$0x3FBA];
	_ =	sdelay $0x3  }
0x34: {  	[smem:$0x3FBA] =	sst s10  }
0x35: {  	s10 =	sld [smem:$0x3FB9];
	_ =	sdelay $0x3  }
0x36: {  	p1 =	seq.s32 s10, $0x1;
	s10 =	sld [smem:$0x3FBA];
	_ =	sdelay $0x3  }
0x37: {  	[smem:$0x3FBA] =	sst s10  }
0x38: {  	s10 =	sld [smem:$0x3FBB]  }
0x39: {  	_ = 	snop;
	(pc) =	sbr.ind lr, $3  }
0x3a: {  	_ = 	snop  }
0x3b: {  	_ = 	snop  }
0x3c: {  	p2 =	seq.s32 s10, $0x1;
	s10 =	sld [smem:$0x3FBA]  }
0x3d: {  	_ =	shalt  }
0x3e: {  	_ =	shalt  }
0x3f: {  	_ =	shalt  }
0x40: {  	_ =	shalt  }
0x41: {  	_ =	shalt  }
0x42: {  	_ =	shalt  }
0x43: {  	_ =	shalt  }
0x44: {  	_ =	shalt  }
0x45: {  	_ =	shalt  }
0x46: {  	_ =	shalt  }
0x47: {  	_ =	shalt  }
0x48: {  	_ =	shalt  }
0x49: {  	_ =	shalt  }
0x4a: {  	_ =	shalt  }
0x4b: {  	_ =	shalt  }
0x4c: {  	_ =	shalt  }
0x4d: {  	_ =	shalt  }
0x4e: {  	_ =	shalt  }
0x4f: {  	_ =	shalt  }
0x50: {  	_ =	shalt  }
0x51: {  	_ =	shalt  }
0x52: {  	_ =	shalt  }
0x53: {  	_ =	shalt  }
0x54: {  	_ =	shalt  }
0x55: {  	_ =	shalt  }
0x56: {  	_ =	shalt  }
0x57: {  	_ =	shalt  }
0x58: {  	_ =	shalt  }
0x59: {  	_ =	shalt  }
0x5a: {  	_ =	shalt  }
0x5b: {  	_ =	shalt  }
0x5c: {  	_ =	shalt  }
0x5d: {  	_ =	shalt  }
0x5e: {  	_ =	shalt  }
0x5f: {  	_ =	shalt  }
0x60: {  	_ =	shalt  }
0x61: {  	_ =	shalt  }
0x62: {  	_ =	shalt  }
0x63: {  	_ =	shalt  }
0x64: {  	_ =	shalt  }
0x65: {  	_ =	shalt  }
0x66: {  	_ =	shalt  }
0x67: {  	_ =	shalt  }
0x68: {  	_ =	shalt  }
0x69: {  	_ =	shalt  }
0x6a: {  	_ =	shalt  }
0x6b: {  	_ =	shalt  }
0x6c: {  	_ =	shalt  }
0x6d: {  	_ =	shalt  }
0x6e: {  	_ =	shalt  }
0x6f: {  	_ =	shalt  }
0x70: {  	_ =	shalt  }
0x71: {  	_ =	shalt  }
0x72: {  	_ =	shalt  }
0x73: {  	_ =	shalt  }
0x74: {  	_ =	shalt  }
0x75: {  	_ =	shalt  }
0x76: {  	_ =	shalt  }
0x77: {  	_ =	shalt  }
0x78: {  	_ =	shalt  }
0x79: {  	_ =	shalt  }
0x7a: {  	_ =	shalt  }
0x7b: {  	_ =	shalt  }
0x7c: {  	_ =	shalt  }
0x7d: {  	_ =	shalt  }
0x7e: {  	_ =	shalt  }
0x7f: {  	_ =	shalt  }
0x80: {  	_ =	shalt  }
0x81: {  	_ =	shalt  }
0x82: {  	_ =	shalt  }
0x83: {  	_ =	shalt  }
0x84: {  	_ =	shalt  }
0x85: {  	_ =	shalt  }
0x86: {  	_ =	shalt  }
0x87: {  	_ =	shalt  }
.Lfunc_end0:
.L_simem_size_0:
called_computation_lowered:
.L_overlay_start_0:
0x88: {  	s2 =	sld [smem:$0x3FD9]  }
0x89: {  	s3 =	sld [smem:$0x3FFE];
	_ =	sdelay $0x1  }
0x8a: {  	s1 =	srdreg.scid  }
0x8b: {  	s0 =	sand.u32 $0x1, s1  }
0x8c: {  	s18 =	sshll.u32 s0, $0xA;
	s2 =	sadd.s32 s3, s2  }
0x8d: {  	s2 =	sadd.s32 s2, s18  }
0x8e: {  	[smem:$0x3FC6] =	sst s2  }
0x8f: {  	_ = 	snop  }
0x90: {  	s2 =	sld [smem:$0x3FC9]  }
0x91: {  	s19 =	sld [smem:$0x3FC8]  }
0x92: {  	s4 =	sld [smem:$0x3FD0];
	(tm) =	ssettm $0x1  }
0x93: {  	s5 =	sld [smem:$0x3FFB];
	_ =	sdelay $0x3  }
0x94: {  	_ =	strace s5  }
0x95: {  	s5 =	sld [smem:$0x3FFC];
	_ =	sdelay $0x3  }
0x96: {  	_ =	strace s5  }
0x97: {  	s5 =	sld [smem:$0x3FFD];
	_ =	sdelay $0x3  }
0x98: {  	_ =	strace s5  }
0x99: {  	_ =	strace $0x8FFFFFFF  }
0x9a: {  	s20 =	sld [smem:$0x3FDB];
	_ =	sdelay $0x1  }
0x9b: {  	s6 =	simm.s32 $_scs_section_size  }
0x9c: {  	s7 =	simm.s32 $_size__tile_overlayer_lowered;
	s8 =	simm.s32 $_tile_overlayer_lowered  }
0x9d: {  	s23 =	simm.s32 $0x1BFF;
	s22 =	sshll.u32 s8, $0x1;
	s5 =	sadd.s32 s6, s20  }
0x9e: {  	s9 =	simm.s32 $0x0;
	s21 =	sshll.u32 s7, $0x1;
	s7 =	sadd.s32 s22, s5  }
0x9f: {  	[timem:s9], [sflag:s23] =	dma.local [hbm:s7], s21  }
0xa0: {  	_ =	swait.ge [sflag:s23], s21  }
0xa1: {  	s6 =	ssub.s32 $0x0, s21;
	[sflag:s23] =	ssyncset.done $0x0  }
0xa2: {  	[sflag:s23] =	ssyncadd.s32 s6;
	_ =	sdelay $0x1  }
0xa3: {  	s24 =	simm.s32 $0x1B8B  }
0xa4: {  	_ =	swait.ge [sflag:s24], $0x1  }
0xa5: {  	[sflag:s24] =	ssyncset.done $0x0  }
0xa6: {  	s25 =	simm.s32 $0x1B8E;
	[sflag:s24] =	ssyncadd.s32 $0xFFFFFFFF  }
0xa7: {  	s26 =	simm.s32 $execute0_lowered;
	[smem:$0x3FD2] =	sst s25  }
0xa8: {  	s6 =	sshll.u32 s26, $0x1;
	_ =	strace $0x80000046;
	[dreg:$0x1] =	wrdreg $0xFFFFFFFF  }
0xa9: {  	s28 =	simm.s32 $_size_execute0_lowered;
	s5 =	sadd.s32 s5, s6;
	[dreg:$0x0] =	wrdreg $0x0  }
0xaa: {  	s6 =	sshll.u32 s28, $0x1;
	[dreg:$0x2] =	wrdreg s5  }
0xab: {  	[dreg:$0x3] =	wrdreg s6  }
0xac: {  	[dreg:$0x4] =	wrdreg $0xC0  }
0xad: {  	_ =	task [dreg:s9], $0x5FFFF  }
0xae: {  	[dreg:$0x1] =	wrdreg $0xFFFFFFFF  }
0xaf: {  	[dreg:$0x0] =	wrdreg $0x60  }
0xb0: {  	[dreg:$0x2] =	wrdreg s2  }
0xb1: {  	[dreg:$0x3] =	wrdreg s19  }
0xb2: {  	[dreg:$0x4] =	wrdreg s4  }
0xb3: {  	[dreg:$0x5] =	wrdreg $0x101000  }
0xb4: {  	[dreg:$0x6] =	wrdreg $0x9  }
0xb5: {  	_ =	task.clear_ibuf [dreg:s9], $0x7FFFF;
	_ =	strace $0x90000046  }
0xb6: {  	s29 =	simm.s32 $0x9;
	_ =	strace $0x80000048  }
0xb7: {  	_ =	swait.ge [sflag:s29], $0x1  }
0xb8: {  	[sflag:s29] =	ssyncadd.s32 $0xFFFFFFFF  }
0xb9: {  	_ =	strace $0x90000048  }
0xba: {  	_ =	sfence  }
0xbb: {  	s30 =	sld [smem:$0x0];
	_ =	sdelay $0x2  }
0xbc: {  	s31 =	sshll.u32 s1, $0xD;
	s1 =	sshrl.u32 s1, $0x2  }
0xbd: {  	s3 =	sand.u32 $0x4000, s31;
	s1 =	sadd.s32 s1, s30  }
0xbe: {  	s0 =	sor.u32 s3, s0;
	s1 =	sshll.u32 s1, $0x11  }
0xbf: {  	s0 =	sor.u32 s1, s0  }
0xc0: {  	s0 =	sadd.s32 $0x8F2B, s0  }
0xc1: {  	[sflag:s0] =	ssyncadd.remote.s32 $0x1  }
0xc2: {  	_ =	sfence.sel $0xFFFF  }
0xc3: {  	[dreg:$0x0] =	wrdreg $0xFFFFFFFF;
	(pc) =	sbr.abs _section_cstart, $3  }
0xc4: {  	[dreg:$0x1] =	wrdreg $0xFFFFFFFF  }
0xc5: {  	_ =	task.clear_ibuf [dreg:s9], $0x2FFFF;
	_ =	strace $0x9FFFFFFF  }
0xc6: {  	(tm) =	ssettm $0x7FFFFFFF  }
0xc7: {  	_ =	shalt  }
tec
execute0_lowered:
.L_overlay_start_1:
0x0: {  	(tag) =	ssettag $0x1  }
0x1: {  	s0 =	rddreg [dreg:$0x0]  }
0x2: {  	s1 =	rddreg [dreg:$0x1]  }
0x3: {  	s2 =	rddreg [dreg:$0x2]  }
0x4: {  	s4 =	rddreg [dreg:$0x3];
	s5 =	srdreg.scid  }
0x5: {  	s12 =	stileid.u32;
	s3 =	simm.s32 $0x0;
	s28 =	simm.s32 $0x6100  }
0x6: {  	s29 =	simm.s32 $0x7900;
	s30 =	simm.s32 $0x8900;
	s8 =	sand.u32 $0x1, s5  }
0x7: {  	s13 =	sshll.u32 s12, $0x1;
	[smem:$0x7FF] =	sst s3;
	s14 =	sshll.u32 s12, $0x2  }
0x8: {  	s15 =	sshll.u32 s12, $0xF;
	s21 =	sshll.u32 s12, $0x10;
	s6 =	sor.u32 s8, s13  }
0x9: {  	s7 =	ssub.s32 $0x2, s8;
	s5 =	sand.u32 $0x30, s14;
	_ =	strace $0x80000047  }
0xa: {  	s23 =	sshll.u32 s8, $0xF;
	s14 =	simm.s32 $0x1900;
	s8 =	simm.s32 $0x2900  }
0xb: {  	s9 =	sshll.u32 s6, $0x7;
	s10 =	sshrl.u32 s7, $0x1;
	s16 =	sshll.u32 s6, $0xF  }
0xc: {  	s0 =	sadd.s32 s0, s5;
	s9 =	sand.u32 $0x380, s9;
	s17 =	sadd.s32 s2, s16  }
0xd: {  	s5 =	sadd.s32 $0x100, s1;
	s0 =	sadd.s32 s9, s0;
	[dreg:$0x7] =	wrdreg s17  }
0xe: {  	s6 =	sadd.s32 $0x200, s1;
	s18 =	sadd.s32 $0x800, s17;
	[dreg:$0x6] =	wrdreg s0  }
0xf: {  	s11 =	ssub.s32 s7, s10;
	s19 =	sadd.s32 $0x1000, s17;
	[dreg:$0x8] =	wrdreg s18  }
0x10: {  	s7 =	sadd.s32 s15, s4;
	s20 =	sadd.s32 $0x1800, s17;
	[dreg:$0x9] =	wrdreg s19  }
0x11: {  	s16 =	simm.s32 $0x900;
	s22 =	sadd.s32 $0x6000, s17;
	[dreg:$0xa] =	wrdreg s20  }
0x12: {  	s15 =	simm.s32 $0x2100;
	s24 =	sadd.s32 $0x6800, s17;
	[dreg:$0xb] =	wrdreg s22  }
0x13: {  	s9 =	sadd.s32 $0x300, s1;
	s25 =	sadd.s32 $0x7000, s17;
	[dreg:$0xc] =	wrdreg s24  }
0x14: {  	s10 =	sadd.s32 $0x4000, s7;
	s26 =	sadd.s32 $0x7800, s17;
	[dreg:$0xd] =	wrdreg s25  }
0x15: {  	s31 =	smax.u32 s11, $0x1;
	s17 =	simm.s32 $0x1100;
	[dreg:$0xe] =	wrdreg s26  }
0x16: {  	s11 =	simm.s32 $0x0;
	s0 =	sadd.s32 s21, s2;
	[dreg:$0xf] =	wrdreg s31  }
0x17: {  	s18 =	simm.s32 $0x3100;
	s21 =	simm.s32 $0x3900;
	s24 =	simm.s32 $0x4900  }
0x18: {  	v2 =	vlaneseq.u32;
	s25 =	simm.s32 $0x5100;
	s26 =	simm.s32 $0x5900;
	s22 =	simm.s32 $0x7100  }
0x19: {  	vm0 =	vmmov $0xffff;
	v1 =	vshrl.u32 v2, $0x3;
	s19 =	simm.s32 $0x1;
	s20 =	simm.s32 $0x2;
	s0 =	sadd.s32 s23, s0  }
0x1a: {  	v0 =	vand.u32 $0x7, v2;
	v2 =	vor.u32 $0x8, v2;
	v1 =	vmul.u32 $0x8, v1;
	s2 =	simm.s32 $0x3;
	[dreg:$0x5] =	wrdreg s0;
	s0 =	simm.s32 $0x6900  }
.LBB2_1:
0x1b: {  	[dreg:$0x10] =	wrdreg s11  }
0x1c: {  	s4 =	rddreg [dreg:$0x6]  }
0x1d: {  	s23 =	simm.s32 $0x80;
	s12 =	simm.s32 $0x200;
	s11 =	simm.s32 $0x4  }
0x1e: {  	[tilespmem:s3], [sflag:$0x4] =	stream.strided.gather [hbm4b:s4+s23], $0x100, s12, s23, $0x38;
	[tilespmem:$0x18100] =	vst v63  }
0x1f: {  	_ =	swait.ge [sflag:s11], $0x100  }
0x20: {  	[sflag:s11] =	ssyncset.done $0x0  }
0x21: {  	[sflag:s11] =	ssyncadd.s32 $0xFFFFFF00  }
0x22: {  	v3 =	vld [tilespmem:$0x0];
	_ =	sdelay $0x4  }
0x23: {  	v4 =	vshll.u32 v3, $0x3  }
0x24: {  	v3 =	vand.u32 $0x7, v3;
	v4 =	vand.u32 $0xFFFFFFC0, v4  }
0x25: {  	v3 =	vor.u32 v3, v4  }
0x26: {  	v4 =	vperm.xlane v3, v0;
	_ =	sdelay $0x1  }
0x27: {  	v4 =	vadd.s32 v1, v4;
	_ =	sdelay $0x3  }
0x28: {  	s4 =	simm.s32 $0x100  }
0x29: {  	[tilespmem:s4], [sflag:$0x1] =	stream.indirect_vreg.gather [hbm4b:s1+s3], $0x80, v4, vm0, $0xb8;
	[tilespmem:$0x18100] =	vst v63  }
0x2a: {  	v3 =	vperm.xlane v3, v2  }
0x2b: {  	[tilespmem:s16], [sflag:$0x1] =	stream.indirect_vreg.gather [hbm4b:s5+s3], $0x80, v4, vm0, $0xb8;
	[tilespmem:$0x18100] =	vst v63  }
0x2c: {  	v3 =	vadd.s32 v1, v3  }
0x2d: {  	[tilespmem:s17], [sflag:$0x1] =	stream.indirect_vreg.gather [hbm4b:s6+s3], $0x80, v4, vm0, $0xb8;
	[tilespmem:$0x18100] =	vst v63  }
0x2e: {  	_ = 	snop  }
0x2f: {  	[tilespmem:s14], [sflag:$0x1] =	stream.indirect_vreg.gather [hbm4b:s9+s3], $0x80, v4, vm0, $0xb8;
	[tilespmem:$0x18100] =	vst v63  }
0x30: {  	_ = 	snop  }
0x31: {  	[tilespmem:s15], [sflag:$0x1] =	stream.indirect_vreg.gather [hbm4b:s1+s3], $0x80, v3, vm0, $0xb8;
	[tilespmem:$0x18100] =	vst v63  }
0x32: {  	_ = 	snop  }
0x33: {  	[tilespmem:s8], [sflag:$0x1] =	stream.indirect_vreg.gather [hbm4b:s5+s3], $0x80, v3, vm0, $0xb8;
	[tilespmem:$0x18100] =	vst v63  }
0x34: {  	_ = 	snop  }
0x35: {  	[tilespmem:s18], [sflag:$0x1] =	stream.indirect_vreg.gather [hbm4b:s6+s3], $0x80, v3, vm0, $0xb8;
	[tilespmem:$0x18100] =	vst v63  }
0x36: {  	_ = 	snop  }
0x37: {  	[tilespmem:s21], [sflag:$0x1] =	stream.indirect_vreg.gather [hbm4b:s9+s3], $0x80, v3, vm0, $0xb8;
	[tilespmem:$0x18100] =	vst v63  }
0x38: {  	v3 =	vld [tilespmem:$0x10];
	_ =	sdelay $0x4  }
0x39: {  	v57 =	vshll.u32 v3, $0x3  }
0x3a: {  	v3 =	vand.u32 $0x7, v3;
	v4 =	vand.u32 $0xFFFFFFC0, v57  }
0x3b: {  	v3 =	vor.u32 v3, v4  }
0x3c: {  	v4 =	vperm.xlane v3, v0;
	_ =	sdelay $0x1  }
0x3d: {  	v4 =	vadd.s32 v1, v4;
	_ =	sdelay $0x3  }
0x3e: {  	s31 =	simm.s32 $0x4100  }
0x3f: {  	[tilespmem:s31], [sflag:$0x1] =	stream.indirect_vreg.gather [hbm4b:s1+s3], $0x80, v4, vm0, $0xb8;
	[tilespmem:$0x18100] =	vst v63  }
0x40: {  	v3 =	vperm.xlane v3, v2  }
0x41: {  	[tilespmem:s24], [sflag:$0x1] =	stream.indirect_vreg.gather [hbm4b:s5+s3], $0x80, v4, vm0, $0xb8;
	[tilespmem:$0x18100] =	vst v63  }
0x42: {  	v3 =	vadd.s32 v1, v3  }
0x43: {  	[tilespmem:s25], [sflag:$0x1] =	stream.indirect_vreg.gather [hbm4b:s6+s3], $0x80, v4, vm0, $0xb8;
	[tilespmem:$0x18100] =	vst v63  }
0x44: {  	_ = 	snop  }
0x45: {  	[tilespmem:s26], [sflag:$0x1] =	stream.indirect_vreg.gather [hbm4b:s9+s3], $0x80, v4, vm0, $0xb8;
	[tilespmem:$0x18100] =	vst v63  }
0x46: {  	_ = 	snop  }
0x47: {  	[tilespmem:s28], [sflag:$0x1] =	stream.indirect_vreg.gather [hbm4b:s1+s3], $0x80, v3, vm0, $0xb8;
	[tilespmem:$0x18100] =	vst v63  }
0x48: {  	_ = 	snop  }
0x49: {  	[tilespmem:s0], [sflag:$0x1] =	stream.indirect_vreg.gather [hbm4b:s5+s3], $0x80, v3, vm0, $0xb8;
	[tilespmem:$0x18100] =	vst v63  }
0x4a: {  	_ = 	snop  }
0x4b: {  	[tilespmem:s22], [sflag:$0x1] =	stream.indirect_vreg.gather [hbm4b:s6+s3], $0x80, v3, vm0, $0xb8;
	[tilespmem:$0x18100] =	vst v63  }
0x4c: {  	_ = 	snop  }
0x4d: {  	[tilespmem:s29], [sflag:$0x1] =	stream.indirect_vreg.gather [hbm4b:s9+s3], $0x80, v3, vm0, $0xb8;
	[tilespmem:$0x18100] =	vst v63  }
0x4e: {  	v3 =	vld [tilespmem:$0x20];
	_ =	sdelay $0x4  }
0x4f: {  	v58 =	vshll.u32 v3, $0x3  }
0x50: {  	v3 =	vand.u32 $0x7, v3;
	v4 =	vand.u32 $0xFFFFFFC0, v58  }
0x51: {  	v3 =	vor.u32 v3, v4  }
0x52: {  	v4 =	vperm.xlane v3, v0;
	_ =	sdelay $0x1  }
0x53: {  	v4 =	vadd.s32 v1, v4;
	_ =	sdelay $0x3  }
0x54: {  	s13 =	simm.s32 $0x8100  }
0x55: {  	[tilespmem:s13], [sflag:$0x1] =	stream.indirect_vreg.gather [hbm4b:s1+s3], $0x80, v4, vm0, $0xb8;
	[tilespmem:$0x18100] =	vst v63  }
0x56: {  	v3 =	vperm.xlane v3, v2  }
0x57: {  	[tilespmem:s30], [sflag:$0x1] =	stream.indirect_vreg.gather [hbm4b:s5+s3], $0x80, v4, vm0, $0xb8;
	[tilespmem:$0x18100] =	vst v63  }
0x58: {  	s12 =	simm.s32 $0x9100;
	v3 =	vadd.s32 v1, v3  }
0x59: {  	[tilespmem:s12], [sflag:$0x1] =	stream.indirect_vreg.gather [hbm4b:s6+s3], $0x80, v4, vm0, $0xb8;
	[tilespmem:$0x18100] =	vst v63  }
0x5a: {  	s23 =	simm.s32 $0x9900  }
0x5b: {  	[tilespmem:s23], [sflag:$0x1] =	stream.indirect_vreg.gather [hbm4b:s9+s3], $0x80, v4, vm0, $0xb8;
	[tilespmem:$0x18100] =	vst v63  }
0x5c: {  	s12 =	simm.s32 $0xA100  }
0x5d: {  	[tilespmem:s12], [sflag:$0x1] =	stream.indirect_vreg.gather [hbm4b:s1+s3], $0x80, v3, vm0, $0xb8;
	[tilespmem:$0x18100] =	vst v63  }
0x5e: {  	s23 =	simm.s32 $0xA900  }
0x5f: {  	[tilespmem:s23], [sflag:$0x1] =	stream.indirect_vreg.gather [hbm4b:s5+s3], $0x80, v3, vm0, $0xb8;
	[tilespmem:$0x18100] =	vst v63  }
0x60: {  	s12 =	simm.s32 $0xB100  }
0x61: {  	[tilespmem:s12], [sflag:$0x1] =	stream.indirect_vreg.gather [hbm4b:s6+s3], $0x80, v3, vm0, $0xb8;
	[tilespmem:$0x18100] =	vst v63  }
0x62: {  	s23 =	simm.s32 $0xB900  }
0x63: {  	[tilespmem:s23], [sflag:$0x1] =	stream.indirect_vreg.gather [hbm4b:s9+s3], $0x80, v3, vm0, $0xb8;
	[tilespmem:$0x18100] =	vst v63  }
0x64: {  	v3 =	vld [tilespmem:$0x30];
	_ =	sdelay $0x4  }
0x65: {  	v59 =	vshll.u32 v3, $0x3  }
0x66: {  	v3 =	vand.u32 $0x7, v3;
	v4 =	vand.u32 $0xFFFFFFC0, v59  }
0x67: {  	v3 =	vor.u32 v3, v4  }
0x68: {  	v4 =	vperm.xlane v3, v0;
	_ =	sdelay $0x1  }
0x69: {  	v4 =	vadd.s32 v1, v4;
	_ =	sdelay $0x3  }
0x6a: {  	s23 =	simm.s32 $0xC100  }
0x6b: {  	[tilespmem:s23], [sflag:$0x1] =	stream.indirect_vreg.gather [hbm4b:s1+s3], $0x80, v4, vm0, $0xb8;
	[tilespmem:$0x18100] =	vst v63  }
0x6c: {  	s12 =	simm.s32 $0xC900;
	v3 =	vperm.xlane v3, v2  }
0x6d: {  	[tilespmem:s12], [sflag:$0x1] =	stream.indirect_vreg.gather [hbm4b:s5+s3], $0x80, v4, vm0, $0xb8;
	[tilespmem:$0x18100] =	vst v63  }
0x6e: {  	v3 =	vadd.s32 v1, v3;
	s12 =	simm.s32 $0xD100  }
0x6f: {  	[tilespmem:s12], [sflag:$0x1] =	stream.indirect_vreg.gather [hbm4b:s6+s3], $0x80, v4, vm0, $0xb8;
	[tilespmem:$0x18100] =	vst v63  }
0x70: {  	s12 =	simm.s32 $0xD900  }
0x71: {  	[tilespmem:s12], [sflag:$0x1] =	stream.indirect_vreg.gather [hbm4b:s9+s3], $0x80, v4, vm0, $0xb8;
	[tilespmem:$0x18100] =	vst v63  }
0x72: {  	s12 =	simm.s32 $0xE100  }
0x73: {  	[tilespmem:s12], [sflag:$0x1] =	stream.indirect_vreg.gather [hbm4b:s1+s3], $0x80, v3, vm0, $0xb8;
	[tilespmem:$0x18100] =	vst v63  }
0x74: {  	s12 =	simm.s32 $0xE900  }
0x75: {  	[tilespmem:s12], [sflag:$0x1] =	stream.indirect_vreg.gather [hbm4b:s5+s3], $0x80, v3, vm0, $0xb8;
	[tilespmem:$0x18100] =	vst v63  }
0x76: {  	s12 =	simm.s32 $0xF100  }
0x77: {  	[tilespmem:s12], [sflag:$0x1] =	stream.indirect_vreg.gather [hbm4b:s6+s3], $0x80, v3, vm0, $0xb8;
	[tilespmem:$0x18100] =	vst v63  }
0x78: {  	s12 =	simm.s32 $0xF900  }
0x79: {  	[tilespmem:s12], [sflag:$0x1] =	stream.indirect_vreg.gather [hbm4b:s9+s3], $0x80, v3, vm0, $0xb8;
	[tilespmem:$0x18100] =	vst v63  }
0x7a: {  	_ =	swait.ge [sflag:s19], $0x4000  }
0x7b: {  	[sflag:s19] =	ssyncset.done $0x0  }
0x7c: {  	[sflag:s19] =	ssyncadd.s32 $0xFFFFC000  }
0x7d: {  	[spmem:s7] =	stream.linear.scatter [tilespmem:s4], [sflag:$0x2], $0x4000, $0x38;
	[tilespmem:$0x18100] =	vst v63  }
0x7e: {  	_ =	swait.ge [sflag:s20], $0x4000  }
0x7f: {  	[sflag:s20] =	ssyncset.done $0x0  }
0x80: {  	[sflag:s20] =	ssyncadd.s32 $0xFFFFC000  }
0x81: {  	v3 =	vld [tilespmem:$0x40];
	_ =	sdelay $0x4  }
0x82: {  	v60 =	vshll.u32 v3, $0x3  }
0x83: {  	v3 =	vand.u32 $0x7, v3;
	v4 =	vand.u32 $0xFFFFFFC0, v60  }
0x84: {  	v3 =	vor.u32 v3, v4  }
0x85: {  	v4 =	vperm.xlane v3, v0;
	_ =	sdelay $0x1  }
0x86: {  	v4 =	vadd.s32 v1, v4;
	_ =	sdelay $0x4  }
0x87: {  	[tilespmem:s4], [sflag:$0x1] =	stream.indirect_vreg.gather [hbm4b:s1+s3], $0x80, v4, vm0, $0xb8;
	[tilespmem:$0x18100] =	vst v63  }
0x88: {  	v3 =	vperm.xlane v3, v2  }
0x89: {  	[tilespmem:s16], [sflag:$0x1] =	stream.indirect_vreg.gather [hbm4b:s5+s3], $0x80, v4, vm0, $0xb8;
	[tilespmem:$0x18100] =	vst v63  }
0x8a: {  	v3 =	vadd.s32 v1, v3  }
0x8b: {  	[tilespmem:s17], [sflag:$0x1] =	stream.indirect_vreg.gather [hbm4b:s6+s3], $0x80, v4, vm0, $0xb8;
	[tilespmem:$0x18100] =	vst v63  }
0x8c: {  	_ = 	snop  }
0x8d: {  	[tilespmem:s14], [sflag:$0x1] =	stream.indirect_vreg.gather [hbm4b:s9+s3], $0x80, v4, vm0, $0xb8;
	[tilespmem:$0x18100] =	vst v63  }
0x8e: {  	_ = 	snop  }
0x8f: {  	[tilespmem:s15], [sflag:$0x1] =	stream.indirect_vreg.gather [hbm4b:s1+s3], $0x80, v3, vm0, $0xb8;
	[tilespmem:$0x18100] =	vst v63  }
0x90: {  	s15 =	stileid.u32  }
0x91: {  	[tilespmem:s8], [sflag:$0x1] =	stream.indirect_vreg.gather [hbm4b:s5+s3], $0x80, v3, vm0, $0xb8;
	[tilespmem:$0x18100] =	vst v63  }
0x92: {  	s4 =	sshll.u32 s15, $0x6  }
0x93: {  	[tilespmem:s18], [sflag:$0x1] =	stream.indirect_vreg.gather [hbm4b:s6+s3], $0x80, v3, vm0, $0xb8;
	[tilespmem:$0x18100] =	vst v63  }
0x94: {  	s11 =	sshrl.u32 s7, $0x3;
	s4 =	sor.u32 $0x1C03, s4;
	s18 =	rddreg [dreg:$0x7]  }
0x95: {  	[tilespmem:s21], [sflag:$0x1] =	stream.indirect_vreg.gather [hbm4b:s9+s3], $0x80, v3, vm0, $0xb8;
	[tilespmem:$0x18100] =	vst v63  }
0x96: {  	[hbm:s18], [sflag:s4] =	dma.local [spmem:s11], $0x800  }
0x97: {  	_ =	swait.ge [sflag:s19], $0x4000  }
0x98: {  	[sflag:s19] =	ssyncset.done $0x0  }
0x99: {  	[sflag:s19] =	ssyncadd.s32 $0xFFFFC000  }
0x9a: {  	[spmem:s10] =	stream.linear.scatter [tilespmem:s31], [sflag:$0x2], $0x4000, $0x38;
	[tilespmem:$0x18100] =	vst v63  }
0x9b: {  	_ =	swait.ge [sflag:s20], $0x4000  }
0x9c: {  	[sflag:s20] =	ssyncset.done $0x0  }
0x9d: {  	[sflag:s20] =	ssyncadd.s32 $0xFFFFC000  }
0x9e: {  	v3 =	vld [tilespmem:$0x50];
	_ =	sdelay $0x4  }
0x9f: {  	v61 =	vshll.u32 v3, $0x3  }
0xa0: {  	v3 =	vand.u32 $0x7, v3;
	v4 =	vand.u32 $0xFFFFFFC0, v61  }
0xa1: {  	v3 =	vor.u32 v3, v4  }
0xa2: {  	v4 =	vperm.xlane v3, v0;
	_ =	sdelay $0x1  }
0xa3: {  	v4 =	vadd.s32 v1, v4;
	_ =	sdelay $0x4  }
0xa4: {  	[tilespmem:s31], [sflag:$0x1] =	stream.indirect_vreg.gather [hbm4b:s1+s3], $0x80, v4, vm0, $0xb8;
	[tilespmem:$0x18100] =	vst v63  }
0xa5: {  	v3 =	vperm.xlane v3, v2  }
0xa6: {  	[tilespmem:s24], [sflag:$0x1] =	stream.indirect_vreg.gather [hbm4b:s5+s3], $0x80, v4, vm0, $0xb8;
	[tilespmem:$0x18100] =	vst v63  }
0xa7: {  	v3 =	vadd.s32 v1, v3  }
0xa8: {  	[tilespmem:s25], [sflag:$0x1] =	stream.indirect_vreg.gather [hbm4b:s6+s3], $0x80, v4, vm0, $0xb8;
	[tilespmem:$0x18100] =	vst v63  }
0xa9: {  	_ = 	snop  }
0xaa: {  	[tilespmem:s26], [sflag:$0x1] =	stream.indirect_vreg.gather [hbm4b:s9+s3], $0x80, v4, vm0, $0xb8;
	[tilespmem:$0x18100] =	vst v63  }
0xab: {  	_ = 	snop  }
0xac: {  	[tilespmem:s28], [sflag:$0x1] =	stream.indirect_vreg.gather [hbm4b:s1+s3], $0x80, v3, vm0, $0xb8;
	[tilespmem:$0x18100] =	vst v63  }
0xad: {  	_ = 	snop  }
0xae: {  	[tilespmem:s0], [sflag:$0x1] =	stream.indirect_vreg.gather [hbm4b:s5+s3], $0x80, v3, vm0, $0xb8;
	[tilespmem:$0x18100] =	vst v63  }
0xaf: {  	_ = 	snop  }
0xb0: {  	[tilespmem:s22], [sflag:$0x1] =	stream.indirect_vreg.gather [hbm4b:s6+s3], $0x80, v3, vm0, $0xb8;
	[tilespmem:$0x18100] =	vst v63  }
0xb1: {  	s12 =	sshrl.u32 s10, $0x3;
	s21 =	rddreg [dreg:$0x8]  }
0xb2: {  	[tilespmem:s29], [sflag:$0x1] =	stream.indirect_vreg.gather [hbm4b:s9+s3], $0x80, v3, vm0, $0xb8;
	[tilespmem:$0x18100] =	vst v63  }
0xb3: {  	[hbm:s21], [sflag:s4] =	dma.local [spmem:s12], $0x800  }
0xb4: {  	_ =	swait.ge [sflag:s19], $0x4000  }
0xb5: {  	[sflag:s19] =	ssyncset.done $0x0  }
0xb6: {  	[sflag:s19] =	ssyncadd.s32 $0xFFFFC000  }
0xb7: {  	_ =	swait.ge [sflag:s2], $0x800  }
0xb8: {  	[sflag:s2] =	ssyncset.done $0x0  }
0xb9: {  	[sflag:s2] =	ssyncadd.s32 $0xFFFFF800  }
0xba: {  	[spmem:s7] =	stream.linear.scatter [tilespmem:s13], [sflag:$0x2], $0x4000, $0x38;
	[tilespmem:$0x18100] =	vst v63  }
0xbb: {  	_ =	swait.ge [sflag:s20], $0x4000  }
0xbc: {  	[sflag:s20] =	ssyncset.done $0x0  }
0xbd: {  	[sflag:s20] =	ssyncadd.s32 $0xFFFFC000  }
0xbe: {  	v3 =	vld [tilespmem:$0x60];
	_ =	sdelay $0x4  }
0xbf: {  	v62 =	vshll.u32 v3, $0x3  }
0xc0: {  	v3 =	vand.u32 $0x7, v3;
	v4 =	vand.u32 $0xFFFFFFC0, v62  }
0xc1: {  	v3 =	vor.u32 v3, v4  }
0xc2: {  	v4 =	vperm.xlane v3, v0;
	_ =	sdelay $0x1  }
0xc3: {  	v4 =	vadd.s32 v1, v4;
	_ =	sdelay $0x4  }
0xc4: {  	[tilespmem:s13], [sflag:$0x1] =	stream.indirect_vreg.gather [hbm4b:s1+s3], $0x80, v4, vm0, $0xb8;
	[tilespmem:$0x18100] =	vst v63  }
0xc5: {  	v3 =	vperm.xlane v3, v2  }
0xc6: {  	[tilespmem:s30], [sflag:$0x1] =	stream.indirect_vreg.gather [hbm4b:s5+s3], $0x80, v4, vm0, $0xb8;
	[tilespmem:$0x18100] =	vst v63  }
0xc7: {  	s22 =	simm.s32 $0x9100;
	v3 =	vadd.s32 v1, v3  }
0xc8: {  	[tilespmem:s22], [sflag:$0x1] =	stream.indirect_vreg.gather [hbm4b:s6+s3], $0x80, v4, vm0, $0xb8;
	[tilespmem:$0x18100] =	vst v63  }
0xc9: {  	s24 =	simm.s32 $0x9900  }
0xca: {  	[tilespmem:s24], [sflag:$0x1] =	stream.indirect_vreg.gather [hbm4b:s9+s3], $0x80, v4, vm0, $0xb8;
	[tilespmem:$0x18100] =	vst v63  }
0xcb: {  	s25 =	simm.s32 $0xA100  }
0xcc: {  	[tilespmem:s25], [sflag:$0x1] =	stream.indirect_vreg.gather [hbm4b:s1+s3], $0x80, v3, vm0, $0xb8;
	[tilespmem:$0x18100] =	vst v63  }
0xcd: {  	s26 =	simm.s32 $0xA900  }
0xce: {  	[tilespmem:s26], [sflag:$0x1] =	stream.indirect_vreg.gather [hbm4b:s5+s3], $0x80, v3, vm0, $0xb8;
	[tilespmem:$0x18100] =	vst v63  }
0xcf: {  	s29 =	simm.s32 $0xB100  }
0xd0: {  	[tilespmem:s29], [sflag:$0x1] =	stream.indirect_vreg.gather [hbm4b:s6+s3], $0x80, v3, vm0, $0xb8;
	[tilespmem:$0x18100] =	vst v63  }
0xd1: {  	s8 =	simm.s32 $0xB900;
	s13 =	rddreg [dreg:$0x9]  }
0xd2: {  	[tilespmem:s8], [sflag:$0x1] =	stream.indirect_vreg.gather [hbm4b:s9+s3], $0x80, v3, vm0, $0xb8;
	[tilespmem:$0x18100] =	vst v63  }
0xd3: {  	[hbm:s13], [sflag:s4] =	dma.local [spmem:s11], $0x800  }
0xd4: {  	_ =	swait.ge [sflag:s19], $0x4000  }
0xd5: {  	[sflag:s19] =	ssyncset.done $0x0  }
0xd6: {  	[sflag:s19] =	ssyncadd.s32 $0xFFFFC000  }
0xd7: {  	_ =	swait.ge [sflag:s2], $0x800  }
0xd8: {  	[sflag:s2] =	ssyncset.done $0x0  }
0xd9: {  	[sflag:s2] =	ssyncadd.s32 $0xFFFFF800  }
0xda: {  	[spmem:s10] =	stream.linear.scatter [tilespmem:s23], [sflag:$0x2], $0x4000, $0x38;
	[tilespmem:$0x18100] =	vst v63  }
0xdb: {  	_ =	swait.ge [sflag:s20], $0x4000  }
0xdc: {  	[sflag:s20] =	ssyncset.done $0x0  }
0xdd: {  	[sflag:s20] =	ssyncadd.s32 $0xFFFFC000  }
0xde: {  	v3 =	vld [tilespmem:$0x70];
	_ =	sdelay $0x4  }
0xdf: {  	v63 =	vshll.u32 v3, $0x3  }
0xe0: {  	v3 =	vand.u32 $0x7, v3;
	v4 =	vand.u32 $0xFFFFFFC0, v63  }
0xe1: {  	v3 =	vor.u32 v3, v4  }
0xe2: {  	v4 =	vperm.xlane v3, v0;
	_ =	sdelay $0x1  }
0xe3: {  	v4 =	vadd.s32 v1, v4;
	_ =	sdelay $0x4  }
0xe4: {  	[tilespmem:s23], [sflag:$0x1] =	stream.indirect_vreg.gather [hbm4b:s1+s3], $0x80, v4, vm0, $0xb8;
	[tilespmem:$0x18100] =	vst v63  }
0xe5: {  	s15 =	simm.s32 $0xC900;
	v3 =	vperm.xlane v3, v2  }
0xe6: {  	[tilespmem:s15], [sflag:$0x1] =	stream.indirect_vreg.gather [hbm4b:s5+s3], $0x80, v4, vm0, $0xb8;
	[tilespmem:$0x18100] =	vst v63  }
0xe7: {  	s18 =	simm.s32 $0xD100;
	v3 =	vadd.s32 v1, v3  }
0xe8: {  	[tilespmem:s18], [sflag:$0x1] =	stream.indirect_vreg.gather [hbm4b:s6+s3], $0x80, v4, vm0, $0xb8;
	[tilespmem:$0x18100] =	vst v63  }
0xe9: {  	s14 =	simm.s32 $0xB0;
	s21 =	simm.s32 $0xD900  }
0xea: {  	[tilespmem:s21], [sflag:$0x1] =	stream.indirect_vreg.gather [hbm4b:s9+s3], $0x80, v4, vm0, $0xb8;
	[tilespmem:$0x18100] =	vst v63  }
0xeb: {  	s31 =	simm.s32 $0xF900;
	s28 =	simm.s32 $0x5100;
	s22 =	simm.s32 $0xE100  }
0xec: {  	[tilespmem:s22], [sflag:$0x1] =	stream.indirect_vreg.gather [hbm4b:s1+s3], $0x80, v3, vm0, $0xb8;
	[tilespmem:$0x18100] =	vst v63  }
0xed: {  	s30 =	simm.s32 $0x6100;
	s24 =	simm.s32 $0xF100;
	s23 =	simm.s32 $0xE900  }
0xee: {  	[tilespmem:s23], [sflag:$0x1] =	stream.indirect_vreg.gather [hbm4b:s5+s3], $0x80, v3, vm0, $0xb8;
	[tilespmem:$0x18100] =	vst v63  }
0xef: {  	s25 =	simm.s32 $0xF900;
	s26 =	simm.s32 $0xF100;
	s8 =	simm.s32 $0x2100  }
0xf0: {  	[tilespmem:s24], [sflag:$0x1] =	stream.indirect_vreg.gather [hbm4b:s6+s3], $0x80, v3, vm0, $0xb8;
	[tilespmem:$0x18100] =	vst v63  }
0xf1: {  	s13 =	simm.s32 $0xE900;
	s29 =	rddreg [dreg:$0xa];
	s15 =	simm.s32 $0x0  }
0xf2: {  	[tilespmem:s25], [sflag:$0x1] =	stream.indirect_vreg.gather [hbm4b:s9+s3], $0x80, v3, vm0, $0xb8;
	[tilespmem:$0x18100] =	vst v63  }
0xf3: {  	s21 =	simm.s32 $0x2900;
	s24 =	simm.s32 $0x8900;
	s25 =	simm.s32 $0x3900  }
0xf4: {  	[hbm:s29], [sflag:s4] =	dma.local [spmem:s12], $0x800  }
.LBB2_2:
0xf5: {  	_ =	swait.ge [sflag:s19], $0x4000  }
0xf6: {  	[sflag:s19] =	ssyncset.done $0x0  }
0xf7: {  	[sflag:s19] =	ssyncadd.s32 $0xFFFFC000  }
0xf8: {  	_ =	swait.ge [sflag:s2], $0x800  }
0xf9: {  	[sflag:s2] =	ssyncset.done $0x0  }
0xfa: {  	s18 =	simm.s32 $0x100;
	[sflag:s2] =	ssyncadd.s32 $0xFFFFF800  }
0xfb: {  	[spmem:s7] =	stream.linear.scatter [tilespmem:s18], [sflag:$0x2], $0x4000, $0x38;
	[tilespmem:$0x18100] =	vst v63  }
0xfc: {  	_ =	swait.ge [sflag:s20], $0x4000  }
0xfd: {  	[sflag:s20] =	ssyncset.done $0x0  }
0xfe: {  	[sflag:s20] =	ssyncadd.s32 $0xFFFFC000  }
0xff: {  	v3 =	vld [tilespmem:s14+$0xFFFFFFD0];
	_ =	sdelay $0x4  }
0x100: {  	v4 =	vshll.u32 v3, $0x3  }
0x101: {  	v3 =	vand.u32 $0x7, v3;
	v4 =	vand.u32 $0xFFFFFFC0, v4  }
0x102: {  	v3 =	vor.u32 v3, v4  }
0x103: {  	v4 =	vperm.xlane v3, v0;
	_ =	sdelay $0x1  }
0x104: {  	v4 =	vadd.s32 v1, v4;
	_ =	sdelay $0x4  }
0x105: {  	[tilespmem:s18], [sflag:$0x1] =	stream.indirect_vreg.gather [hbm4b:s1+s3], $0x80, v4, vm0, $0xb8;
	[tilespmem:$0x18100] =	vst v63  }
0x106: {  	v3 =	vperm.xlane v3, v2  }
0x107: {  	[tilespmem:s16], [sflag:$0x1] =	stream.indirect_vreg.gather [hbm4b:s5+s3], $0x80, v4, vm0, $0xb8;
	[tilespmem:$0x18100] =	vst v63  }
0x108: {  	v3 =	vadd.s32 v1, v3  }
0x109: {  	[tilespmem:s17], [sflag:$0x1] =	stream.indirect_vreg.gather [hbm4b:s6+s3], $0x80, v4, vm0, $0xb8;
	[tilespmem:$0x18100] =	vst v63  }
0x10a: {  	s23 =	simm.s32 $0x1900  }
0x10b: {  	[tilespmem:s23], [sflag:$0x1] =	stream.indirect_vreg.gather [hbm4b:s9+s3], $0x80, v4, vm0, $0xb8;
	[tilespmem:$0x18100] =	vst v63  }
0x10c: {  	_ = 	snop  }
0x10d: {  	[tilespmem:s8], [sflag:$0x1] =	stream.indirect_vreg.gather [hbm4b:s1+s3], $0x80, v3, vm0, $0xb8;
	[tilespmem:$0x18100] =	vst v63  }
0x10e: {  	s18 =	rddreg [dreg:$0x5]  }
0x10f: {  	[tilespmem:s21], [sflag:$0x1] =	stream.indirect_vreg.gather [hbm4b:s5+s3], $0x80, v3, vm0, $0xb8;
	[tilespmem:$0x18100] =	vst v63  }
0x110: {  	s16 =	sadd.s32 s15, s18;
	s17 =	simm.s32 $0x3100  }
0x111: {  	[tilespmem:s17], [sflag:$0x1] =	stream.indirect_vreg.gather [hbm4b:s6+s3], $0x80, v3, vm0, $0xb8;
	[tilespmem:$0x18100] =	vst v63  }
0x112: {  	s22 =	sadd.s32 $0x2000, s16  }
0x113: {  	[tilespmem:s25], [sflag:$0x1] =	stream.indirect_vreg.gather [hbm4b:s9+s3], $0x80, v3, vm0, $0xb8;
	[tilespmem:$0x18100] =	vst v63  }
0x114: {  	[hbm:s22], [sflag:s4] =	dma.local [spmem:s11], $0x800  }
0x115: {  	_ =	swait.ge [sflag:s19], $0x4000  }
0x116: {  	[sflag:s19] =	ssyncset.done $0x0  }
0x117: {  	[sflag:s19] =	ssyncadd.s32 $0xFFFFC000  }
0x118: {  	_ =	swait.ge [sflag:s2], $0x800  }
0x119: {  	[sflag:s2] =	ssyncset.done $0x0  }
0x11a: {  	s23 =	simm.s32 $0x4100;
	[sflag:s2] =	ssyncadd.s32 $0xFFFFF800  }
0x11b: {  	[spmem:s10] =	stream.linear.scatter [tilespmem:s23], [sflag:$0x2], $0x4000, $0x38;
	[tilespmem:$0x18100] =	vst v63  }
0x11c: {  	_ =	swait.ge [sflag:s20], $0x4000  }
0x11d: {  	[sflag:s20] =	ssyncset.done $0x0  }
0x11e: {  	[sflag:s20] =	ssyncadd.s32 $0xFFFFC000  }
0x11f: {  	v3 =	vld [tilespmem:s14+$0xFFFFFFE0];
	_ =	sdelay $0x4  }
0x120: {  	v61 =	vshll.u32 v3, $0x3  }
0x121: {  	v3 =	vand.u32 $0x7, v3;
	v4 =	vand.u32 $0xFFFFFFC0, v61  }
0x122: {  	v3 =	vor.u32 v3, v4  }
0x123: {  	v4 =	vperm.xlane v3, v0;
	_ =	sdelay $0x1  }
0x124: {  	v4 =	vadd.s32 v1, v4;
	_ =	sdelay $0x4  }
0x125: {  	[tilespmem:s23], [sflag:$0x1] =	stream.indirect_vreg.gather [hbm4b:s1+s3], $0x80, v4, vm0, $0xb8;
	[tilespmem:$0x18100] =	vst v63  }
0x126: {  	s22 =	simm.s32 $0x4900;
	v3 =	vperm.xlane v3, v2  }
0x127: {  	[tilespmem:s22], [sflag:$0x1] =	stream.indirect_vreg.gather [hbm4b:s5+s3], $0x80, v4, vm0, $0xb8;
	[tilespmem:$0x18100] =	vst v63  }
0x128: {  	v3 =	vadd.s32 v1, v3  }
0x129: {  	[tilespmem:s28], [sflag:$0x1] =	stream.indirect_vreg.gather [hbm4b:s6+s3], $0x80, v4, vm0, $0xb8;
	[tilespmem:$0x18100] =	vst v63  }
0x12a: {  	s23 =	simm.s32 $0x5900  }
0x12b: {  	[tilespmem:s23], [sflag:$0x1] =	stream.indirect_vreg.gather [hbm4b:s9+s3], $0x80, v4, vm0, $0xb8;
	[tilespmem:$0x18100] =	vst v63  }
0x12c: {  	_ = 	snop  }
0x12d: {  	[tilespmem:s30], [sflag:$0x1] =	stream.indirect_vreg.gather [hbm4b:s1+s3], $0x80, v3, vm0, $0xb8;
	[tilespmem:$0x18100] =	vst v63  }
0x12e: {  	s22 =	simm.s32 $0x6900  }
0x12f: {  	[tilespmem:s22], [sflag:$0x1] =	stream.indirect_vreg.gather [hbm4b:s5+s3], $0x80, v3, vm0, $0xb8;
	[tilespmem:$0x18100] =	vst v63  }
0x130: {  	s23 =	simm.s32 $0x7100  }
0x131: {  	[tilespmem:s23], [sflag:$0x1] =	stream.indirect_vreg.gather [hbm4b:s6+s3], $0x80, v3, vm0, $0xb8;
	[tilespmem:$0x18100] =	vst v63  }
0x132: {  	s22 =	simm.s32 $0x7900;
	s23 =	sadd.s32 $0x2800, s16  }
0x133: {  	[tilespmem:s22], [sflag:$0x1] =	stream.indirect_vreg.gather [hbm4b:s9+s3], $0x80, v3, vm0, $0xb8;
	[tilespmem:$0x18100] =	vst v63  }
0x134: {  	[hbm:s23], [sflag:s4] =	dma.local [spmem:s12], $0x800  }
0x135: {  	_ =	swait.ge [sflag:s19], $0x4000  }
0x136: {  	[sflag:s19] =	ssyncset.done $0x0  }
0x137: {  	[sflag:s19] =	ssyncadd.s32 $0xFFFFC000  }
0x138: {  	_ =	swait.ge [sflag:s2], $0x800  }
0x139: {  	[sflag:s2] =	ssyncset.done $0x0  }
0x13a: {  	s22 =	simm.s32 $0x8100;
	[sflag:s2] =	ssyncadd.s32 $0xFFFFF800  }
0x13b: {  	[spmem:s7] =	stream.linear.scatter [tilespmem:s22], [sflag:$0x2], $0x4000, $0x38;
	[tilespmem:$0x18100] =	vst v63  }
0x13c: {  	_ =	swait.ge [sflag:s20], $0x4000  }
0x13d: {  	[sflag:s20] =	ssyncset.done $0x0  }
0x13e: {  	[sflag:s20] =	ssyncadd.s32 $0xFFFFC000  }
0x13f: {  	v3 =	vld [tilespmem:s14+$0xFFFFFFF0];
	_ =	sdelay $0x4  }
0x140: {  	v62 =	vshll.u32 v3, $0x3  }
0x141: {  	v3 =	vand.u32 $0x7, v3;
	v4 =	vand.u32 $0xFFFFFFC0, v62  }
0x142: {  	v3 =	vor.u32 v3, v4  }
0x143: {  	v4 =	vperm.xlane v3, v0;
	_ =	sdelay $0x1  }
0x144: {  	v4 =	vadd.s32 v1, v4;
	_ =	sdelay $0x4  }
0x145: {  	[tilespmem:s22], [sflag:$0x1] =	stream.indirect_vreg.gather [hbm4b:s1+s3], $0x80, v4, vm0, $0xb8;
	[tilespmem:$0x18100] =	vst v63  }
0x146: {  	v3 =	vperm.xlane v3, v2  }
0x147: {  	[tilespmem:s24], [sflag:$0x1] =	stream.indirect_vreg.gather [hbm4b:s5+s3], $0x80, v4, vm0, $0xb8;
	[tilespmem:$0x18100] =	vst v63  }
0x148: {  	v3 =	vadd.s32 v1, v3;
	s22 =	simm.s32 $0x9100  }
0x149: {  	[tilespmem:s22], [sflag:$0x1] =	stream.indirect_vreg.gather [hbm4b:s6+s3], $0x80, v4, vm0, $0xb8;
	[tilespmem:$0x18100] =	vst v63  }
0x14a: {  	s22 =	simm.s32 $0x9900  }
0x14b: {  	[tilespmem:s22], [sflag:$0x1] =	stream.indirect_vreg.gather [hbm4b:s9+s3], $0x80, v4, vm0, $0xb8;
	[tilespmem:$0x18100] =	vst v63  }
0x14c: {  	s22 =	simm.s32 $0xA100  }
0x14d: {  	[tilespmem:s22], [sflag:$0x1] =	stream.indirect_vreg.gather [hbm4b:s1+s3], $0x80, v3, vm0, $0xb8;
	[tilespmem:$0x18100] =	vst v63  }
0x14e: {  	s22 =	simm.s32 $0xA900  }
0x14f: {  	[tilespmem:s22], [sflag:$0x1] =	stream.indirect_vreg.gather [hbm4b:s5+s3], $0x80, v3, vm0, $0xb8;
	[tilespmem:$0x18100] =	vst v63  }
0x150: {  	s22 =	simm.s32 $0xB100  }
0x151: {  	[tilespmem:s22], [sflag:$0x1] =	stream.indirect_vreg.gather [hbm4b:s6+s3], $0x80, v3, vm0, $0xb8;
	[tilespmem:$0x18100] =	vst v63  }
0x152: {  	s22 =	simm.s32 $0xB900  }
0x153: {  	[tilespmem:s22], [sflag:$0x1] =	stream.indirect_vreg.gather [hbm4b:s9+s3], $0x80, v3, vm0, $0xb8;
	[tilespmem:$0x18100] =	vst v63  }
0x154: {  	s22 =	sadd.s32 $0x3000, s16  }
0x155: {  	[hbm:s22], [sflag:s4] =	dma.local [spmem:s11], $0x800  }
0x156: {  	_ =	swait.ge [sflag:s19], $0x4000  }
0x157: {  	[sflag:s19] =	ssyncset.done $0x0  }
0x158: {  	[sflag:s19] =	ssyncadd.s32 $0xFFFFC000  }
0x159: {  	_ =	swait.ge [sflag:s2], $0x800  }
0x15a: {  	[sflag:s2] =	ssyncset.done $0x0  }
0x15b: {  	s22 =	simm.s32 $0xC100;
	[sflag:s2] =	ssyncadd.s32 $0xFFFFF800  }
0x15c: {  	[spmem:s10] =	stream.linear.scatter [tilespmem:s22], [sflag:$0x2], $0x4000, $0x38;
	[tilespmem:$0x18100] =	vst v63  }
0x15d: {  	_ =	swait.ge [sflag:s20], $0x4000  }
0x15e: {  	[sflag:s20] =	ssyncset.done $0x0  }
0x15f: {  	[sflag:s20] =	ssyncadd.s32 $0xFFFFC000  }
0x160: {  	v3 =	vld [tilespmem:s14+$0x0];
	_ =	sdelay $0x4  }
0x161: {  	v63 =	vshll.u32 v3, $0x3  }
0x162: {  	v3 =	vand.u32 $0x7, v3;
	v4 =	vand.u32 $0xFFFFFFC0, v63  }
0x163: {  	v3 =	vor.u32 v3, v4  }
0x164: {  	v4 =	vperm.xlane v3, v0;
	_ =	sdelay $0x1  }
0x165: {  	v4 =	vadd.s32 v1, v4;
	_ =	sdelay $0x4  }
0x166: {  	[tilespmem:s22], [sflag:$0x1] =	stream.indirect_vreg.gather [hbm4b:s1+s3], $0x80, v4, vm0, $0xb8;
	[tilespmem:$0x18100] =	vst v63  }
0x167: {  	v3 =	vperm.xlane v3, v2;
	s22 =	simm.s32 $0xC900  }
0x168: {  	[tilespmem:s22], [sflag:$0x1] =	stream.indirect_vreg.gather [hbm4b:s5+s3], $0x80, v4, vm0, $0xb8;
	[tilespmem:$0x18100] =	vst v63  }
0x169: {  	v3 =	vadd.s32 v1, v3;
	s22 =	simm.s32 $0xD100  }
0x16a: {  	[tilespmem:s22], [sflag:$0x1] =	stream.indirect_vreg.gather [hbm4b:s6+s3], $0x80, v4, vm0, $0xb8;
	[tilespmem:$0x18100] =	vst v63  }
0x16b: {  	s22 =	simm.s32 $0xD900  }
0x16c: {  	[tilespmem:s22], [sflag:$0x1] =	stream.indirect_vreg.gather [hbm4b:s9+s3], $0x80, v4, vm0, $0xb8;
	[tilespmem:$0x18100] =	vst v63  }
0x16d: {  	s22 =	simm.s32 $0xE100  }
0x16e: {  	[tilespmem:s22], [sflag:$0x1] =	stream.indirect_vreg.gather [hbm4b:s1+s3], $0x80, v3, vm0, $0xb8;
	[tilespmem:$0x18100] =	vst v63  }
0x16f: {  	_ = 	snop  }
0x170: {  	[tilespmem:s13], [sflag:$0x1] =	stream.indirect_vreg.gather [hbm4b:s5+s3], $0x80, v3, vm0, $0xb8;
	[tilespmem:$0x18100] =	vst v63  }
0x171: {  	s0 =	simm.s32 $0x100;
	p0 =	sne.s32 s15, $0x2000  }
0x172: {  	[tilespmem:s26], [sflag:$0x1] =	stream.indirect_vreg.gather [hbm4b:s6+s3], $0x80, v3, vm0, $0xb8;
	[tilespmem:$0x18100] =	vst v63  }
.Ltmp0:
0x173: {  	s29 =	simm.s32 $0xC100;
	s18 =	simm.s32 $0x4100;
	(pc) =	sbr.rel @p0 .LBB2_2-.Ltmp0, $4  }
0x174: {  	s15 =	sadd.s32 $0x2000, s15;
	s17 =	simm.s32 $0x1100;
	s16 =	sadd.s32 $0x3800, s16  }
0x175: {  	[tilespmem:s31], [sflag:$0x1] =	stream.indirect_vreg.gather [hbm4b:s9+s3], $0x80, v3, vm0, $0xb8;
	[tilespmem:$0x18100] =	vst v63  }
0x176: {  	[hbm:s16], [sflag:s4] =	dma.local [spmem:s12], $0x800  }
0x177: {  	s23 =	simm.s32 $0x8100;
	s14 =	sadd.s32 $0x40, s14;
	s16 =	simm.s32 $0x900  }
0x178: {  	_ =	swait.ge [sflag:s19], $0x4000  }
0x179: {  	[sflag:s19] =	ssyncset.done $0x0  }
0x17a: {  	[sflag:s19] =	ssyncadd.s32 $0xFFFFC000  }
0x17b: {  	_ =	swait.ge [sflag:s2], $0x800  }
0x17c: {  	[sflag:s2] =	ssyncset.done $0x0  }
0x17d: {  	[sflag:s2] =	ssyncadd.s32 $0xFFFFF800  }
0x17e: {  	[spmem:s7] =	stream.linear.scatter [tilespmem:s0], [sflag:$0x2], $0x4000, $0x38;
	[tilespmem:$0x18100] =	vst v63  }
0x17f: {  	_ =	swait.ge [sflag:s20], $0x4000  }
0x180: {  	[sflag:s20] =	ssyncset.done $0x0  }
0x181: {  	s14 =	rddreg [dreg:$0xb];
	[sflag:s20] =	ssyncadd.s32 $0xFFFFC000  }
0x182: {  	[hbm:s14], [sflag:s4] =	dma.local [spmem:s11], $0x800  }
0x183: {  	_ =	swait.ge [sflag:s19], $0x4000  }
0x184: {  	[sflag:s19] =	ssyncset.done $0x0  }
0x185: {  	[sflag:s19] =	ssyncadd.s32 $0xFFFFC000  }
0x186: {  	_ =	swait.ge [sflag:s2], $0x800  }
0x187: {  	[sflag:s2] =	ssyncset.done $0x0  }
0x188: {  	[sflag:s2] =	ssyncadd.s32 $0xFFFFF800  }
0x189: {  	[spmem:s10] =	stream.linear.scatter [tilespmem:s18], [sflag:$0x2], $0x4000, $0x38;
	[tilespmem:$0x18100] =	vst v63  }
0x18a: {  	_ =	swait.ge [sflag:s20], $0x4000  }
0x18b: {  	[sflag:s20] =	ssyncset.done $0x0  }
0x18c: {  	s22 =	rddreg [dreg:$0xc];
	[sflag:s20] =	ssyncadd.s32 $0xFFFFC000  }
0x18d: {  	[hbm:s22], [sflag:s4] =	dma.local [spmem:s12], $0x800  }
0x18e: {  	_ =	swait.ge [sflag:s19], $0x4000  }
0x18f: {  	[sflag:s19] =	ssyncset.done $0x0  }
0x190: {  	[sflag:s19] =	ssyncadd.s32 $0xFFFFC000  }
0x191: {  	_ =	swait.ge [sflag:s2], $0x800  }
0x192: {  	[sflag:s2] =	ssyncset.done $0x0  }
0x193: {  	[sflag:s2] =	ssyncadd.s32 $0xFFFFF800  }
0x194: {  	[spmem:s7] =	stream.linear.scatter [tilespmem:s23], [sflag:$0x2], $0x4000, $0x38;
	[tilespmem:$0x18100] =	vst v63  }
0x195: {  	_ =	swait.ge [sflag:s20], $0x4000  }
0x196: {  	[sflag:s20] =	ssyncset.done $0x0  }
0x197: {  	s24 =	rddreg [dreg:$0xd];
	[sflag:s20] =	ssyncadd.s32 $0xFFFFC000  }
0x198: {  	[hbm:s24], [sflag:s4] =	dma.local [spmem:s11], $0x800  }
0x199: {  	_ =	swait.ge [sflag:s19], $0x4000  }
0x19a: {  	[sflag:s19] =	ssyncset.done $0x0  }
0x19b: {  	[sflag:s19] =	ssyncadd.s32 $0xFFFFC000  }
0x19c: {  	_ =	swait.ge [sflag:s2], $0x800  }
0x19d: {  	[sflag:s2] =	ssyncset.done $0x0  }
0x19e: {  	[sflag:s2] =	ssyncadd.s32 $0xFFFFF800  }
0x19f: {  	[spmem:s10] =	stream.linear.scatter [tilespmem:s29], [sflag:$0x2], $0x4000, $0x38;
	[tilespmem:$0x18100] =	vst v63  }
0x1a0: {  	_ =	swait.ge [sflag:s20], $0x4000  }
0x1a1: {  	[sflag:s20] =	ssyncset.done $0x0  }
0x1a2: {  	s25 =	rddreg [dreg:$0xe];
	[sflag:s20] =	ssyncadd.s32 $0xFFFFC000  }
0x1a3: {  	[hbm:s25], [sflag:s4] =	dma.local [spmem:s12], $0x800  }
0x1a4: {  	_ =	swait.ge [sflag:s2], $0x800  }
0x1a5: {  	[sflag:s2] =	ssyncset.done $0x0  }
0x1a6: {  	[sflag:s2] =	ssyncadd.s32 $0xFFFFF800  }
0x1a7: {  	_ =	swait.ge [sflag:s2], $0x800  }
0x1a8: {  	s26 =	rddreg [dreg:$0x10]  }
0x1a9: {  	s31 =	rddreg [dreg:$0xf];
	s11 =	sadd.s32 $0x1, s26  }
0x1aa: {  	s15 =	simm.s32 $0x2100;
	p0 =	sne.s32 s11, s31  }
.Ltmp1:
0x1ab: {  	s8 =	simm.s32 $0x2900;
	s21 =	simm.s32 $0x3900;
	(pc) =	sbr.rel @p0 .LBB2_1-.Ltmp1, $4  }
0x1ac: {  	s28 =	simm.s32 $0x6100;
	s30 =	simm.s32 $0x8900;
	s0 =	simm.s32 $0x6900  }
0x1ad: {  	s14 =	simm.s32 $0x1900;
	s18 =	simm.s32 $0x3100;
	s22 =	simm.s32 $0x7100  }
0x1ae: {  	s24 =	simm.s32 $0x4900;
	s29 =	simm.s32 $0x7900;
	[sflag:s2] =	ssyncset.done $0x0  }
0x1af: {  	s25 =	simm.s32 $0x5100;
	[sflag:s2] =	ssyncadd.s32 $0xFFFFF800;
	s26 =	simm.s32 $0x5900  }
0x1b0: {  	_ =	sfence.sel $0x180000  }
0x1b1: {  	[bflag:$0x0] =	sbarrier.arrive $0xFFFF  }
0x1b2: {  	_ =	strace $0x90000047  }
0x1b3: {  	s0 =	stileid.u32;
	[bflag:$0x2] =	sbarrier.arrive $0xFFFF  }
0x1b4: {  	p0 =	sne.s32 s0, $0x0;
	s0 =	rddreg [dreg:$0x4]  }
0x1b5: {  	s0 =	sadd.s32 @!p0 $0x100000, s0  }
0x1b6: {  	[sflag:s0] =	ssyncadd.tile.s32 @!p0 $0x1;
	_ =	shalt  }
.Lfunc_end2:
_tile_overlayer_lowered:
.L_overlay_start_2:
0x1b7: {  	(tag) =	ssettag $0x2  }
0x1b8: {  	s0 =	rddreg [dreg:$0x0];
	s2 =	stileid.u32  }
0x1b9: {  	s1 =	rddreg [dreg:$0x1];
	p0 =	sne.s32 s2, $0x0  }
0x1ba: {  	s3 =	rddreg [dreg:$0x2];
	[bflag:$0x3] =	sbarrier.arrive $0xFFFF;
	s2 =	simm.s32 @!p0 $0x1C04  }
0x1bb: {  	[timem:s3], [sflag:s2] =	dma.local @!p0 [hbm:s0], s1  }
0x1bc: {  	s0 =	simm.s32 @!p0 $0x4  }
0x1bd: {  	_ =	swait.ge @!p0 [sflag:s0], s1  }
0x1be: {  	s1 =	ssub.s32 @!p0 $0x0, s1;
	[sflag:s0] =	ssyncset.done @!p0 $0x0  }
0x1bf: {  	[sflag:s0] =	ssyncadd.s32 @!p0 s1  }
0x1c0: {  	[bflag:$0x3] =	sbarrier.arrive $0xFFFF  }
0x1c1: {  	_ =	shalt  }

</sc_bundles>
